<compile_context>
chip_gen: v7x
topology: tpu7x:2x2x1
jax: 0.10.2.dev20260603
libtpu: 0.0.44.dev20260713+nightly
codegen_flags: <defaults>
</compile_context>

<pallas_src>
import functools

import jax
import jax.numpy as jnp
from jax import lax
from jax.experimental import pallas as pl
from jax.experimental.pallas import tpu as pltpu
from jax.experimental.pallas import tpu_sc as plsc

_VOCAB = 1000
_B = 1024
_L = 50
_LP = 64
_N = _B * _L
_NC = 2
_NS = 16
_NW = _NC * _NS
_BPW = _B // _NW
_PER_W = _N // _NW


def _lse_body(emb_ref, out_ref):
    x = emb_ref[...]
    m = jnp.max(x, axis=1, keepdims=True)
    s = jnp.sum(jnp.exp(x - m), axis=1, keepdims=True)
    out_ref[...] = jnp.log(s) + m


def _compute_lse(embedding):
    out = pl.pallas_call(
        _lse_body,
        out_shape=jax.ShapeDtypeStruct((_VOCAB, 1), jnp.float32),
    )(embedding)
    return out.reshape(_VOCAB)


_sc_mesh = plsc.VectorSubcoreMesh(core_axis_name="c", subcore_axis_name="s")


@functools.partial(
    pl.kernel,
    out_type=(
        jax.ShapeDtypeStruct((_B, _L, _VOCAB), jnp.float32),
        jax.ShapeDtypeStruct((_N,), jnp.float32),
    ),
    mesh=_sc_mesh,
    compiler_params=pltpu.CompilerParams(
        use_tc_tiling_on_sc=False, needs_layout_passes=False),
    scratch_types=[
        pltpu.VMEM((_BPW, _L), jnp.int32),
        pltpu.VMEM((_BPW, _LP), jnp.int32),
        pltpu.VMEM((_BPW, _LP), jnp.int32),
        pltpu.VMEM((_L, _VOCAB), jnp.float32),
        pltpu.VMEM((_L, _VOCAB), jnp.float32),
        pltpu.VMEM((_VOCAB,), jnp.float32),
        pltpu.VMEM((_PER_W + _LP,), jnp.float32),
        pltpu.SemaphoreType.DMA,
        pltpu.SemaphoreType.DMA,
        pltpu.SemaphoreType.DMA,
        pltpu.SemaphoreType.DMA,
    ],
)
def _sc_main(emb_hbm, idx2d_hbm, idxp_hbm, tgtp_hbm, lse_hbm,
             out_hbm, loss_hbm,
             idx2d_v, idxp_v, tgtp_v, rows0, rows1, lse_v, loss_all,
             sem_g0, sem_g1, sem_w0, sem_w1):
    wid = lax.axis_index("s") * _NC + lax.axis_index("c")
    wb = wid * _BPW
    base_w = wid * _PER_W
    pltpu.sync_copy(idx2d_hbm.at[pl.ds(wb, _BPW)], idx2d_v)
    pltpu.sync_copy(idxp_hbm.at[pl.ds(wb, _BPW)], idxp_v)
    pltpu.sync_copy(tgtp_hbm.at[pl.ds(wb, _BPW)], tgtp_v)
    pltpu.sync_copy(lse_hbm, lse_v)

    def issue_gather(c, buf, sem):
        pltpu.async_copy(emb_hbm.at[idx2d_v.at[c]], buf, sem)

    def wait_gather(buf, sem):
        pltpu.make_async_copy(emb_hbm.at[idx2d_v.at[0]], buf, sem).wait()

    def issue_write(c, buf, sem):
        pltpu.async_copy(buf, out_hbm.at[wb + c], sem)

    def wait_write(buf, sem):
        pltpu.make_async_copy(buf, out_hbm.at[wb], sem).wait()

    def compute_loss(c, buf):
        for j in range(_LP // 16):
            n16 = lax.iota(jnp.int32, 16) + (j * 16)
            sl = pl.ds(j * 16, 16)
            idx16 = idxp_v[c, sl]
            tgt16 = tgtp_v[c, sl]
            tl16 = plsc.load_gather(buf, [n16, tgt16])
            lse16 = plsc.load_gather(lse_v, [idx16])
            plsc.store_scatter(loss_all, [c * _L + n16], lse16 - tl16)

    issue_gather(0, rows0, sem_g0)
    issue_gather(1, rows1, sem_g1)

    def step(i, carry):
        c0 = i * 2
        wait_gather(rows0, sem_g0)
        issue_write(c0, rows0, sem_w0)
        compute_loss(c0, rows0)
        wait_gather(rows1, sem_g1)
        issue_write(c0 + 1, rows1, sem_w1)
        compute_loss(c0 + 1, rows1)
        wait_write(rows0, sem_w0)
        issue_gather(c0 + 2, rows0, sem_g0)
        wait_write(rows1, sem_w1)
        issue_gather(c0 + 3, rows1, sem_g1)
        return carry

    lax.fori_loop(0, _BPW // 2 - 1, step, 0)

    wait_gather(rows0, sem_g0)
    issue_write(_BPW - 2, rows0, sem_w0)
    compute_loss(_BPW - 2, rows0)
    wait_gather(rows1, sem_g1)
    issue_write(_BPW - 1, rows1, sem_w1)
    compute_loss(_BPW - 1, rows1)
    wait_write(rows0, sem_w0)
    wait_write(rows1, sem_w1)
    pltpu.sync_copy(loss_all.at[pl.ds(0, _PER_W)],
                    loss_hbm.at[pl.ds(base_w, _PER_W)])


def kernel(indices, targets, embedding):
    idx_pad = jnp.pad(indices, ((0, 0), (0, _LP - _L)))
    tgt_pad = jnp.pad(targets, ((0, 0), (0, _LP - _L)))
    lse = _compute_lse(embedding)
    logits, loss = _sc_main(embedding, indices, idx_pad, tgt_pad, lse)
    return logits, loss

# --- scband reference (transcript-rebuilt; emitter-appended) ---
"""Pipeline reference for scband-bigram-72499047956738 (READ-ONLY COPY).

The authoritative reference and input builder live on the scoring server;
editing this copy changes nothing except your own understanding.
"""

import jax, jax.numpy as jnp
import numpy as np

VOCAB = 1000
B = 1024
L = 50


def setup_inputs(seed: int = 0) -> dict:
    key = jax.random.key(seed)
    k1, k2, k3 = jax.random.split(key, 3)
    indices = jax.random.randint(k1, (B, L), 0, VOCAB)
    targets = jax.random.randint(k2, (B, L), 0, VOCAB)
    # Learned parameter: embedding table of shape [vocab_size, vocab_size]
    embedding = jax.random.normal(k3, (VOCAB, VOCAB), dtype=jnp.float32) * 0.02
    return {"indices": indices, "targets": targets, "embedding": embedding}


def reference(indices, targets, embedding):
    # logits = self.embedding(indices)  -> gather rows of the table
    logits = jnp.take(embedding, indices, axis=0)  # [B, L, VOCAB]
    # loss = optax.softmax_cross_entropy(logits_unrolled, one_hot(targets_unrolled))
    logits_unrolled = jnp.reshape(logits, (-1, VOCAB))  # [B*L, VOCAB]
    targets_unrolled = jnp.reshape(targets, (-1,))  # [B*L]
    logz = jax.nn.logsumexp(logits_unrolled, axis=-1)  # [B*L]
    true_logit = jnp.take_along_axis(logits_unrolled, targets_unrolled[:, None], axis=1)[:, 0]
    loss = logz - true_logit  # per-example CE, matches optax.softmax_cross_entropy (no reduction)
    return (logits, loss)

if __name__ == "__main__":
    import jax
    _d = setup_inputs()
    print(jax.jit(kernel)(*tuple(_d.values())))

</pallas_src>

<mosaic_0001>
#map = affine_map<(d0, d1) -> (0, 0)>
#map1 = affine_map<(d0, d1) -> (0)>
#map2 = affine_map<(d0, d1) -> (0, 0, 0)>
module attributes {stable_mosaic.version = 14 : i64} {
  func.func @_sc_main(%arg0: i32, %arg1: i32, %arg2: memref<1000x1000xf32, #tpu.memory_space<hbm>>, %arg3: memref<1024x50xi32, #tpu.memory_space<hbm>>, %arg4: memref<1024x64xi32, #tpu.memory_space<hbm>>, %arg5: memref<1024x64xi32, #tpu.memory_space<hbm>>, %arg6: memref<1000xf32, #tpu.memory_space<hbm>>, %arg7: memref<1024x50x1000xf32, #tpu.memory_space<hbm>>, %arg8: memref<51200xf32, #tpu.memory_space<hbm>>, %arg9: memref<32x50xi32, #tpu.memory_space<vmem>>, %arg10: memref<32x64xi32, #tpu.memory_space<vmem>>, %arg11: memref<32x64xi32, #tpu.memory_space<vmem>>, %arg12: memref<50x1000xf32, #tpu.memory_space<vmem>>, %arg13: memref<50x1000xf32, #tpu.memory_space<vmem>>, %arg14: memref<1000xf32, #tpu.memory_space<vmem>>, %arg15: memref<1664xf32, #tpu.memory_space<vmem>>, %arg16: memref<!tpu.dma_semaphore, #tpu.memory_space<semaphore_mem>>, %arg17: memref<!tpu.dma_semaphore, #tpu.memory_space<semaphore_mem>>, %arg18: memref<!tpu.dma_semaphore, #tpu.memory_space<semaphore_mem>>, %arg19: memref<!tpu.dma_semaphore, #tpu.memory_space<semaphore_mem>>) attributes {dimension_semantics = [#tpu.dimension_semantics<core_parallel>, #tpu.dimension_semantics<subcore_parallel>], iteration_bounds = array<i64: 2, 16>, scalar_prefetch = 0 : i64, scratch_operands = 11 : i64, tpu.core_type = #tpu.core_type<sc_vector_subcore>, window_params = [{transform_indices = #map}, {transform_indices = #map}, {transform_indices = #map}, {transform_indices = #map}, {transform_indices = #map1}, {transform_indices = #map2}, {transform_indices = #map1}]} {
    %mul3A = arith.constant 2 : i32
    %mul3A_0 = arith.muli %arg1, %mul3A : i32
    %add3A = arith.addi %mul3A_0, %arg0 : i32
    %mul3A_1 = arith.constant 32 : i32
    %mul3A_2 = arith.muli %add3A, %mul3A_1 : i32
    %mul3A_3 = arith.constant 1600 : i32
    %mul3A_4 = arith.muli %add3A, %mul3A_3 : i32
    "tpu.region"() ({
      %run_scoped3A = tpu.sem_alloc : memref<!tpu.dma_semaphore, #tpu.memory_space<semaphore_mem>>
      %dma_start3A_212 = arith.constant 0 : i32
      %dma_start3A_213 = tpu.memref_slice %arg3[%mul3A_2, %dma_start3A_212] : memref<1024x50xi32, #tpu.memory_space<hbm>> -> memref<32x50xi32, #tpu.memory_space<hbm>>
      %dma_start3A_214 = arith.constant 0 : i32
      %dma_start3A_215 = tpu.memref_slice %arg3[%mul3A_2, %dma_start3A_214] : memref<1024x50xi32, #tpu.memory_space<hbm>> -> memref<32x50xi32, #tpu.memory_space<hbm>>
      tpu.enqueue_dma source(%dma_start3A_215 : memref<32x50xi32, #tpu.memory_space<hbm>>) target(%arg9 : memref<32x50xi32, #tpu.memory_space<vmem>>) target_semaphore(%run_scoped3A : memref<!tpu.dma_semaphore, #tpu.memory_space<semaphore_mem>>)
      %dma_wait3A_216 = arith.constant 0 : i32
      %dma_wait3A_217 = tpu.memref_slice %arg3[%mul3A_2, %dma_wait3A_216] : memref<1024x50xi32, #tpu.memory_space<hbm>> -> memref<32x50xi32, #tpu.memory_space<hbm>>
      %dma_wait3A_218 = arith.constant 0 : i32
      %dma_wait3A_219 = tpu.memref_slice %arg3[%mul3A_2, %dma_wait3A_218] : memref<1024x50xi32, #tpu.memory_space<hbm>> -> memref<32x50xi32, #tpu.memory_space<hbm>>
      tpu.wait_dma2 semaphore(%run_scoped3A : memref<!tpu.dma_semaphore, #tpu.memory_space<semaphore_mem>>) src(%dma_wait3A_219 : memref<32x50xi32, #tpu.memory_space<hbm>>) dst(%arg9 : memref<32x50xi32, #tpu.memory_space<vmem>>)
      tpu.yield
    }) : () -> ()
    "tpu.region"() ({
      %run_scoped3A = tpu.sem_alloc : memref<!tpu.dma_semaphore, #tpu.memory_space<semaphore_mem>>
      %dma_start3A_212 = arith.constant 0 : i32
      %dma_start3A_213 = tpu.memref_slice %arg4[%mul3A_2, %dma_start3A_212] : memref<1024x64xi32, #tpu.memory_space<hbm>> -> memref<32x64xi32, #tpu.memory_space<hbm>>
      %dma_start3A_214 = arith.constant 0 : i32
      %dma_start3A_215 = tpu.memref_slice %arg4[%mul3A_2, %dma_start3A_214] : memref<1024x64xi32, #tpu.memory_space<hbm>> -> memref<32x64xi32, #tpu.memory_space<hbm>>
      tpu.enqueue_dma source(%dma_start3A_215 : memref<32x64xi32, #tpu.memory_space<hbm>>) target(%arg10 : memref<32x64xi32, #tpu.memory_space<vmem>>) target_semaphore(%run_scoped3A : memref<!tpu.dma_semaphore, #tpu.memory_space<semaphore_mem>>)
      %dma_wait3A_216 = arith.constant 0 : i32
      %dma_wait3A_217 = tpu.memref_slice %arg4[%mul3A_2, %dma_wait3A_216] : memref<1024x64xi32, #tpu.memory_space<hbm>> -> memref<32x64xi32, #tpu.memory_space<hbm>>
      %dma_wait3A_218 = arith.constant 0 : i32
      %dma_wait3A_219 = tpu.memref_slice %arg4[%mul3A_2, %dma_wait3A_218] : memref<1024x64xi32, #tpu.memory_space<hbm>> -> memref<32x64xi32, #tpu.memory_space<hbm>>
      tpu.wait_dma2 semaphore(%run_scoped3A : memref<!tpu.dma_semaphore, #tpu.memory_space<semaphore_mem>>) src(%dma_wait3A_219 : memref<32x64xi32, #tpu.memory_space<hbm>>) dst(%arg10 : memref<32x64xi32, #tpu.memory_space<vmem>>)
      tpu.yield
    }) : () -> ()
    "tpu.region"() ({
      %run_scoped3A = tpu.sem_alloc : memref<!tpu.dma_semaphore, #tpu.memory_space<semaphore_mem>>
      %dma_start3A_212 = arith.constant 0 : i32
      %dma_start3A_213 = tpu.memref_slice %arg5[%mul3A_2, %dma_start3A_212] : memref<1024x64xi32, #tpu.memory_space<hbm>> -> memref<32x64xi32, #tpu.memory_space<hbm>>
      %dma_start3A_214 = arith.constant 0 : i32
      %dma_start3A_215 = tpu.memref_slice %arg5[%mul3A_2, %dma_start3A_214] : memref<1024x64xi32, #tpu.memory_space<hbm>> -> memref<32x64xi32, #tpu.memory_space<hbm>>
      tpu.enqueue_dma source(%dma_start3A_215 : memref<32x64xi32, #tpu.memory_space<hbm>>) target(%arg11 : memref<32x64xi32, #tpu.memory_space<vmem>>) target_semaphore(%run_scoped3A : memref<!tpu.dma_semaphore, #tpu.memory_space<semaphore_mem>>)
      %dma_wait3A_216 = arith.constant 0 : i32
      %dma_wait3A_217 = tpu.memref_slice %arg5[%mul3A_2, %dma_wait3A_216] : memref<1024x64xi32, #tpu.memory_space<hbm>> -> memref<32x64xi32, #tpu.memory_space<hbm>>
      %dma_wait3A_218 = arith.constant 0 : i32
      %dma_wait3A_219 = tpu.memref_slice %arg5[%mul3A_2, %dma_wait3A_218] : memref<1024x64xi32, #tpu.memory_space<hbm>> -> memref<32x64xi32, #tpu.memory_space<hbm>>
      tpu.wait_dma2 semaphore(%run_scoped3A : memref<!tpu.dma_semaphore, #tpu.memory_space<semaphore_mem>>) src(%dma_wait3A_219 : memref<32x64xi32, #tpu.memory_space<hbm>>) dst(%arg11 : memref<32x64xi32, #tpu.memory_space<vmem>>)
      tpu.yield
    }) : () -> ()
    "tpu.region"() ({
      %run_scoped3A = tpu.sem_alloc : memref<!tpu.dma_semaphore, #tpu.memory_space<semaphore_mem>>
      tpu.enqueue_dma source(%arg6 : memref<1000xf32, #tpu.memory_space<hbm>>) target(%arg14 : memref<1000xf32, #tpu.memory_space<vmem>>) target_semaphore(%run_scoped3A : memref<!tpu.dma_semaphore, #tpu.memory_space<semaphore_mem>>)
      tpu.wait_dma2 semaphore(%run_scoped3A : memref<!tpu.dma_semaphore, #tpu.memory_space<semaphore_mem>>) src(%arg6 : memref<1000xf32, #tpu.memory_space<hbm>>) dst(%arg14 : memref<1000xf32, #tpu.memory_space<vmem>>)
      tpu.yield
    }) : () -> ()
    %dma_start3A = arith.constant 0 : i32
    %dma_start3A_5 = arith.constant 0 : i32
    %dma_start3A_6 = tpu.memref_slice %arg9[%dma_start3A, %dma_start3A_5] : memref<32x50xi32, #tpu.memory_space<vmem>> -> memref<1x50xi32, #tpu.memory_space<vmem>>
    %dma_start3A_7 = tpu.memref_squeeze %dma_start3A_6 : memref<1x50xi32, #tpu.memory_space<vmem>> -> memref<50xi32, #tpu.memory_space<vmem>>
    %dma_start3A_8 = arith.constant 0 : i32
    %dma_start3A_9 = arith.constant 0 : i32
    %dma_start3A_10 = tpu.memref_slice %arg2[%dma_start3A_8, %dma_start3A_9] : memref<1000x1000xf32, #tpu.memory_space<hbm>> -> memref<1000x1000xf32, #tpu.memory_space<hbm>>
    tpu.enqueue_indirect_dma source(%dma_start3A_10 : memref<1000x1000xf32, #tpu.memory_space<hbm>>) target(%arg12 : memref<50x1000xf32, #tpu.memory_space<vmem>>) offsets(%dma_start3A_7 : memref<50xi32, #tpu.memory_space<vmem>>) semaphore(%arg16 : memref<!tpu.dma_semaphore, #tpu.memory_space<semaphore_mem>>)
    %dma_start3A_11 = arith.constant 1 : i32
    %dma_start3A_12 = arith.constant 0 : i32
    %dma_start3A_13 = tpu.memref_slice %arg9[%dma_start3A_11, %dma_start3A_12] : memref<32x50xi32, #tpu.memory_space<vmem>> -> memref<1x50xi32, #tpu.memory_space<vmem>>
    %dma_start3A_14 = tpu.memref_squeeze %dma_start3A_13 : memref<1x50xi32, #tpu.memory_space<vmem>> -> memref<50xi32, #tpu.memory_space<vmem>>
    %dma_start3A_15 = arith.constant 0 : i32
    %dma_start3A_16 = arith.constant 0 : i32
    %dma_start3A_17 = tpu.memref_slice %arg2[%dma_start3A_15, %dma_start3A_16] : memref<1000x1000xf32, #tpu.memory_space<hbm>> -> memref<1000x1000xf32, #tpu.memory_space<hbm>>
    tpu.enqueue_indirect_dma source(%dma_start3A_17 : memref<1000x1000xf32, #tpu.memory_space<hbm>>) target(%arg13 : memref<50x1000xf32, #tpu.memory_space<vmem>>) offsets(%dma_start3A_14 : memref<50xi32, #tpu.memory_space<vmem>>) semaphore(%arg17 : memref<!tpu.dma_semaphore, #tpu.memory_space<semaphore_mem>>)
    %scan3A = arith.constant 0 : i32
    %scan3A_18 = arith.constant 0 : i32
    %scan3A_19 = arith.constant 15 : i32
    %scan3A_20 = arith.addi %scan3A_18, %scan3A_19 : i32
    %scan3A_21 = arith.constant 1 : i32
    scf.for %scan3A_212 = %scan3A_18 to %scan3A_20 step %scan3A_21  : i32 {
      %mul3A_213 = arith.constant 2 : i32
      %mul3A_214 = arith.muli %scan3A_212, %mul3A_213 : i32
      %dma_wait3A_215 = arith.constant 0 : i32
      %dma_wait3A_216 = arith.constant 0 : i32
      %dma_wait3A_217 = tpu.memref_slice %arg9[%dma_wait3A_215, %dma_wait3A_216] : memref<32x50xi32, #tpu.memory_space<vmem>> -> memref<1x50xi32, #tpu.memory_space<vmem>>
      %dma_wait3A_218 = tpu.memref_squeeze %dma_wait3A_217 : memref<1x50xi32, #tpu.memory_space<vmem>> -> memref<50xi32, #tpu.memory_space<vmem>>
      %dma_wait3A_219 = arith.constant 0 : i32
      %dma_wait3A_220 = arith.constant 0 : i32
      %dma_wait3A_221 = tpu.memref_slice %arg2[%dma_wait3A_219, %dma_wait3A_220] : memref<1000x1000xf32, #tpu.memory_space<hbm>> -> memref<1000x1000xf32, #tpu.memory_space<hbm>>
      tpu.wait_indirect_dma semaphore(%arg16 : memref<!tpu.dma_semaphore, #tpu.memory_space<semaphore_mem>>) src(%dma_wait3A_221 : memref<1000x1000xf32, #tpu.memory_space<hbm>>) dst(%arg12 : memref<50x1000xf32, #tpu.memory_space<vmem>>)
      %add3A_222 = arith.addi %mul3A_2, %mul3A_214 : i32
      %dma_start3A_223 = arith.constant 0 : i32
      %dma_start3A_224 = arith.constant 0 : i32
      %dma_start3A_225 = tpu.memref_slice %arg7[%add3A_222, %dma_start3A_223, %dma_start3A_224] : memref<1024x50x1000xf32, #tpu.memory_space<hbm>> -> memref<1x50x1000xf32, #tpu.memory_space<hbm>>
      %dma_start3A_226 = tpu.memref_squeeze %dma_start3A_225 : memref<1x50x1000xf32, #tpu.memory_space<hbm>> -> memref<50x1000xf32, #tpu.memory_space<hbm>>
      %dma_start3A_227 = arith.constant 0 : i32
      %dma_start3A_228 = arith.constant 0 : i32
      %dma_start3A_229 = tpu.memref_slice %arg7[%add3A_222, %dma_start3A_227, %dma_start3A_228] : memref<1024x50x1000xf32, #tpu.memory_space<hbm>> -> memref<1x50x1000xf32, #tpu.memory_space<hbm>>
      %dma_start3A_230 = tpu.memref_squeeze %dma_start3A_229 : memref<1x50x1000xf32, #tpu.memory_space<hbm>> -> memref<50x1000xf32, #tpu.memory_space<hbm>>
      tpu.enqueue_dma source(%arg12 : memref<50x1000xf32, #tpu.memory_space<vmem>>) target(%dma_start3A_230 : memref<50x1000xf32, #tpu.memory_space<hbm>>) target_semaphore(%arg18 : memref<!tpu.dma_semaphore, #tpu.memory_space<semaphore_mem>>)
      %iota3A_231 = tpu.iota {dimensions = array<i32: 0>} : vector<16xi32>
      %add3A_232 = arith.constant 0 : i32
      %add3A_233 = vector.broadcast %add3A_232 : i32 to vector<16xi32>
      %add3A_234 = arith.addi %iota3A_231, %add3A_233 : vector<16xi32>
      %get3A_235 = arith.index_cast %mul3A_214 : i32 to index
      %get3A_236 = arith.constant 0 : index
      %get3A_237 = tpu.vector_load %arg10[%get3A_235, %get3A_236] {strides = array<i32>} : memref<32x64xi32, #tpu.memory_space<vmem>>, vector<16xi32>,
      %get3A_238 = arith.index_cast %mul3A_214 : i32 to index
      %get3A_239 = arith.constant 0 : index
      %get3A_240 = tpu.vector_load %arg11[%get3A_238, %get3A_239] {strides = array<i32>} : memref<32x64xi32, #tpu.memory_space<vmem>>, vector<16xi32>,
      %gather3A_241 = tpu.vector_load_idx %arg12[%add3A_234, %get3A_240] : memref<50x1000xf32, #tpu.memory_space<vmem>>[vector<16xi32>, vector<16xi32>], vector<16xf32>,
      %gather3A_242 = tpu.vector_load_idx %arg14[%get3A_237] : memref<1000xf32, #tpu.memory_space<vmem>>[vector<16xi32>], vector<16xf32>,
      %mul3A_243 = arith.constant 50 : i32
      %mul3A_244 = arith.muli %mul3A_214, %mul3A_243 : i32
      %add3A_245 = vector.broadcast %mul3A_244 : i32 to vector<16xi32>
      %add3A_246 = arith.addi %add3A_245, %add3A_234 : vector<16xi32>
      %sub3A_247 = arith.subf %gather3A_242, %gather3A_241 : vector<16xf32>
      tpu.vector_store_idx %arg15[%add3A_246], %sub3A_247 : memref<1664xf32, #tpu.memory_space<vmem>>[vector<16xi32>], vector<16xf32>,
      %iota3A_248 = tpu.iota {dimensions = array<i32: 0>} : vector<16xi32>
      %add3A_249 = arith.constant 16 : i32
      %add3A_250 = vector.broadcast %add3A_249 : i32 to vector<16xi32>
      %add3A_251 = arith.addi %iota3A_248, %add3A_250 : vector<16xi32>
      %get3A_252 = arith.index_cast %mul3A_214 : i32 to index
      %get3A_253 = arith.constant 16 : index
      %get3A_254 = tpu.vector_load %arg10[%get3A_252, %get3A_253] {strides = array<i32>} : memref<32x64xi32, #tpu.memory_space<vmem>>, vector<16xi32>,
      %get3A_255 = arith.index_cast %mul3A_214 : i32 to index
      %get3A_256 = arith.constant 16 : index
      %get3A_257 = tpu.vector_load %arg11[%get3A_255, %get3A_256] {strides = array<i32>} : memref<32x64xi32, #tpu.memory_space<vmem>>, vector<16xi32>,
      %gather3A_258 = tpu.vector_load_idx %arg12[%add3A_251, %get3A_257] : memref<50x1000xf32, #tpu.memory_space<vmem>>[vector<16xi32>, vector<16xi32>], vector<16xf32>,
      %gather3A_259 = tpu.vector_load_idx %arg14[%get3A_254] : memref<1000xf32, #tpu.memory_space<vmem>>[vector<16xi32>], vector<16xf32>,
      %mul3A_260 = arith.constant 50 : i32
      %mul3A_261 = arith.muli %mul3A_214, %mul3A_260 : i32
      %add3A_262 = vector.broadcast %mul3A_261 : i32 to vector<16xi32>
      %add3A_263 = arith.addi %add3A_262, %add3A_251 : vector<16xi32>
      %sub3A_264 = arith.subf %gather3A_259, %gather3A_258 : vector<16xf32>
      tpu.vector_store_idx %arg15[%add3A_263], %sub3A_264 : memref<1664xf32, #tpu.memory_space<vmem>>[vector<16xi32>], vector<16xf32>,
      %iota3A_265 = tpu.iota {dimensions = array<i32: 0>} : vector<16xi32>
      %add3A_266 = arith.constant 32 : i32
      %add3A_267 = vector.broadcast %add3A_266 : i32 to vector<16xi32>
      %add3A_268 = arith.addi %iota3A_265, %add3A_267 : vector<16xi32>
      %get3A_269 = arith.index_cast %mul3A_214 : i32 to index
      %get3A_270 = arith.constant 32 : index
      %get3A_271 = tpu.vector_load %arg10[%get3A_269, %get3A_270] {strides = array<i32>} : memref<32x64xi32, #tpu.memory_space<vmem>>, vector<16xi32>,
      %get3A_272 = arith.index_cast %mul3A_214 : i32 to index
      %get3A_273 = arith.constant 32 : index
      %get3A_274 = tpu.vector_load %arg11[%get3A_272, %get3A_273] {strides = array<i32>} : memref<32x64xi32, #tpu.memory_space<vmem>>, vector<16xi32>,
      %gather3A_275 = tpu.vector_load_idx %arg12[%add3A_268, %get3A_274] : memref<50x1000xf32, #tpu.memory_space<vmem>>[vector<16xi32>, vector<16xi32>], vector<16xf32>,
      %gather3A_276 = tpu.vector_load_idx %arg14[%get3A_271] : memref<1000xf32, #tpu.memory_space<vmem>>[vector<16xi32>], vector<16xf32>,
      %mul3A_277 = arith.constant 50 : i32
      %mul3A_278 = arith.muli %mul3A_214, %mul3A_277 : i32
      %add3A_279 = vector.broadcast %mul3A_278 : i32 to vector<16xi32>
      %add3A_280 = arith.addi %add3A_279, %add3A_268 : vector<16xi32>
      %sub3A_281 = arith.subf %gather3A_276, %gather3A_275 : vector<16xf32>
      tpu.vector_store_idx %arg15[%add3A_280], %sub3A_281 : memref<1664xf32, #tpu.memory_space<vmem>>[vector<16xi32>], vector<16xf32>,
      %iota3A_282 = tpu.iota {dimensions = array<i32: 0>} : vector<16xi32>
      %add3A_283 = arith.constant 48 : i32
      %add3A_284 = vector.broadcast %add3A_283 : i32 to vector<16xi32>
      %add3A_285 = arith.addi %iota3A_282, %add3A_284 : vector<16xi32>
      %get3A_286 = arith.index_cast %mul3A_214 : i32 to index
      %get3A_287 = arith.constant 48 : index
      %get3A_288 = tpu.vector_load %arg10[%get3A_286, %get3A_287] {strides = array<i32>} : memref<32x64xi32, #tpu.memory_space<vmem>>, vector<16xi32>,
      %get3A_289 = arith.index_cast %mul3A_214 : i32 to index
      %get3A_290 = arith.constant 48 : index
      %get3A_291 = tpu.vector_load %arg11[%get3A_289, %get3A_290] {strides = array<i32>} : memref<32x64xi32, #tpu.memory_space<vmem>>, vector<16xi32>,
      %gather3A_292 = tpu.vector_load_idx %arg12[%add3A_285, %get3A_291] : memref<50x1000xf32, #tpu.memory_space<vmem>>[vector<16xi32>, vector<16xi32>], vector<16xf32>,
      %gather3A_293 = tpu.vector_load_idx %arg14[%get3A_288] : memref<1000xf32, #tpu.memory_space<vmem>>[vector<16xi32>], vector<16xf32>,
      %mul3A_294 = arith.constant 50 : i32
      %mul3A_295 = arith.muli %mul3A_214, %mul3A_294 : i32
      %add3A_296 = vector.broadcast %mul3A_295 : i32 to vector<16xi32>
      %add3A_297 = arith.addi %add3A_296, %add3A_285 : vector<16xi32>
      %sub3A_298 = arith.subf %gather3A_293, %gather3A_292 : vector<16xf32>
      tpu.vector_store_idx %arg15[%add3A_297], %sub3A_298 : memref<1664xf32, #tpu.memory_space<vmem>>[vector<16xi32>], vector<16xf32>,
      %dma_wait3A_299 = arith.constant 0 : i32
      %dma_wait3A_300 = arith.constant 0 : i32
      %dma_wait3A_301 = tpu.memref_slice %arg9[%dma_wait3A_299, %dma_wait3A_300] : memref<32x50xi32, #tpu.memory_space<vmem>> -> memref<1x50xi32, #tpu.memory_space<vmem>>
      %dma_wait3A_302 = tpu.memref_squeeze %dma_wait3A_301 : memref<1x50xi32, #tpu.memory_space<vmem>> -> memref<50xi32, #tpu.memory_space<vmem>>
      %dma_wait3A_303 = arith.constant 0 : i32
      %dma_wait3A_304 = arith.constant 0 : i32
      %dma_wait3A_305 = tpu.memref_slice %arg2[%dma_wait3A_303, %dma_wait3A_304] : memref<1000x1000xf32, #tpu.memory_space<hbm>> -> memref<1000x1000xf32, #tpu.memory_space<hbm>>
      tpu.wait_indirect_dma semaphore(%arg17 : memref<!tpu.dma_semaphore, #tpu.memory_space<semaphore_mem>>) src(%dma_wait3A_305 : memref<1000x1000xf32, #tpu.memory_space<hbm>>) dst(%arg13 : memref<50x1000xf32, #tpu.memory_space<vmem>>)
      %add3A_306 = arith.constant 1 : i32
      %add3A_307 = arith.addi %mul3A_214, %add3A_306 : i32
      %add3A_308 = arith.addi %mul3A_2, %add3A_307 : i32
      %dma_start3A_309 = arith.constant 0 : i32
      %dma_start3A_310 = arith.constant 0 : i32
      %dma_start3A_311 = tpu.memref_slice %arg7[%add3A_308, %dma_start3A_309, %dma_start3A_310] : memref<1024x50x1000xf32, #tpu.memory_space<hbm>> -> memref<1x50x1000xf32, #tpu.memory_space<hbm>>
      %dma_start3A_312 = tpu.memref_squeeze %dma_start3A_311 : memref<1x50x1000xf32, #tpu.memory_space<hbm>> -> memref<50x1000xf32, #tpu.memory_space<hbm>>
      %dma_start3A_313 = arith.constant 0 : i32
      %dma_start3A_314 = arith.constant 0 : i32
      %dma_start3A_315 = tpu.memref_slice %arg7[%add3A_308, %dma_start3A_313, %dma_start3A_314] : memref<1024x50x1000xf32, #tpu.memory_space<hbm>> -> memref<1x50x1000xf32, #tpu.memory_space<hbm>>
      %dma_start3A_316 = tpu.memref_squeeze %dma_start3A_315 : memref<1x50x1000xf32, #tpu.memory_space<hbm>> -> memref<50x1000xf32, #tpu.memory_space<hbm>>
      tpu.enqueue_dma source(%arg13 : memref<50x1000xf32, #tpu.memory_space<vmem>>) target(%dma_start3A_316 : memref<50x1000xf32, #tpu.memory_space<hbm>>) target_semaphore(%arg19 : memref<!tpu.dma_semaphore, #tpu.memory_space<semaphore_mem>>)
      %add3A_317 = arith.constant 1 : i32
      %add3A_318 = arith.addi %mul3A_214, %add3A_317 : i32
      %iota3A_319 = tpu.iota {dimensions = array<i32: 0>} : vector<16xi32>
      %add3A_320 = arith.constant 0 : i32
      %add3A_321 = vector.broadcast %add3A_320 : i32 to vector<16xi32>
      %add3A_322 = arith.addi %iota3A_319, %add3A_321 : vector<16xi32>
      %get3A_323 = arith.index_cast %add3A_318 : i32 to index
      %get3A_324 = arith.constant 0 : index
      %get3A_325 = tpu.vector_load %arg10[%get3A_323, %get3A_324] {strides = array<i32>} : memref<32x64xi32, #tpu.memory_space<vmem>>, vector<16xi32>,
      %get3A_326 = arith.index_cast %add3A_318 : i32 to index
      %get3A_327 = arith.constant 0 : index
      %get3A_328 = tpu.vector_load %arg11[%get3A_326, %get3A_327] {strides = array<i32>} : memref<32x64xi32, #tpu.memory_space<vmem>>, vector<16xi32>,
      %gather3A_329 = tpu.vector_load_idx %arg13[%add3A_322, %get3A_328] : memref<50x1000xf32, #tpu.memory_space<vmem>>[vector<16xi32>, vector<16xi32>], vector<16xf32>,
      %gather3A_330 = tpu.vector_load_idx %arg14[%get3A_325] : memref<1000xf32, #tpu.memory_space<vmem>>[vector<16xi32>], vector<16xf32>,
      %mul3A_331 = arith.constant 50 : i32
      %mul3A_332 = arith.muli %add3A_318, %mul3A_331 : i32
      %add3A_333 = vector.broadcast %mul3A_332 : i32 to vector<16xi32>
      %add3A_334 = arith.addi %add3A_333, %add3A_322 : vector<16xi32>
      %sub3A_335 = arith.subf %gather3A_330, %gather3A_329 : vector<16xf32>
      tpu.vector_store_idx %arg15[%add3A_334], %sub3A_335 : memref<1664xf32, #tpu.memory_space<vmem>>[vector<16xi32>], vector<16xf32>,
      %iota3A_336 = tpu.iota {dimensions = array<i32: 0>} : vector<16xi32>
      %add3A_337 = arith.constant 16 : i32
      %add3A_338 = vector.broadcast %add3A_337 : i32 to vector<16xi32>
      %add3A_339 = arith.addi %iota3A_336, %add3A_338 : vector<16xi32>
      %get3A_340 = arith.index_cast %add3A_318 : i32 to index
      %get3A_341 = arith.constant 16 : index
      %get3A_342 = tpu.vector_load %arg10[%get3A_340, %get3A_341] {strides = array<i32>} : memref<32x64xi32, #tpu.memory_space<vmem>>, vector<16xi32>,
      %get3A_343 = arith.index_cast %add3A_318 : i32 to index
      %get3A_344 = arith.constant 16 : index
      %get3A_345 = tpu.vector_load %arg11[%get3A_343, %get3A_344] {strides = array<i32>} : memref<32x64xi32, #tpu.memory_space<vmem>>, vector<16xi32>,
      %gather3A_346 = tpu.vector_load_idx %arg13[%add3A_339, %get3A_345] : memref<50x1000xf32, #tpu.memory_space<vmem>>[vector<16xi32>, vector<16xi32>], vector<16xf32>,
      %gather3A_347 = tpu.vector_load_idx %arg14[%get3A_342] : memref<1000xf32, #tpu.memory_space<vmem>>[vector<16xi32>], vector<16xf32>,
      %mul3A_348 = arith.constant 50 : i32
      %mul3A_349 = arith.muli %add3A_318, %mul3A_348 : i32
      %add3A_350 = vector.broadcast %mul3A_349 : i32 to vector<16xi32>
      %add3A_351 = arith.addi %add3A_350, %add3A_339 : vector<16xi32>
      %sub3A_352 = arith.subf %gather3A_347, %gather3A_346 : vector<16xf32>
      tpu.vector_store_idx %arg15[%add3A_351], %sub3A_352 : memref<1664xf32, #tpu.memory_space<vmem>>[vector<16xi32>], vector<16xf32>,
      %iota3A_353 = tpu.iota {dimensions = array<i32: 0>} : vector<16xi32>
      %add3A_354 = arith.constant 32 : i32
      %add3A_355 = vector.broadcast %add3A_354 : i32 to vector<16xi32>
      %add3A_356 = arith.addi %iota3A_353, %add3A_355 : vector<16xi32>
      %get3A_357 = arith.index_cast %add3A_318 : i32 to index
      %get3A_358 = arith.constant 32 : index
      %get3A_359 = tpu.vector_load %arg10[%get3A_357, %get3A_358] {strides = array<i32>} : memref<32x64xi32, #tpu.memory_space<vmem>>, vector<16xi32>,
      %get3A_360 = arith.index_cast %add3A_318 : i32 to index
      %get3A_361 = arith.constant 32 : index
      %get3A_362 = tpu.vector_load %arg11[%get3A_360, %get3A_361] {strides = array<i32>} : memref<32x64xi32, #tpu.memory_space<vmem>>, vector<16xi32>,
      %gather3A_363 = tpu.vector_load_idx %arg13[%add3A_356, %get3A_362] : memref<50x1000xf32, #tpu.memory_space<vmem>>[vector<16xi32>, vector<16xi32>], vector<16xf32>,
      %gather3A_364 = tpu.vector_load_idx %arg14[%get3A_359] : memref<1000xf32, #tpu.memory_space<vmem>>[vector<16xi32>], vector<16xf32>,
      %mul3A_365 = arith.constant 50 : i32
      %mul3A_366 = arith.muli %add3A_318, %mul3A_365 : i32
      %add3A_367 = vector.broadcast %mul3A_366 : i32 to vector<16xi32>
      %add3A_368 = arith.addi %add3A_367, %add3A_356 : vector<16xi32>
      %sub3A_369 = arith.subf %gather3A_364, %gather3A_363 : vector<16xf32>
      tpu.vector_store_idx %arg15[%add3A_368], %sub3A_369 : memref<1664xf32, #tpu.memory_space<vmem>>[vector<16xi32>], vector<16xf32>,
      %iota3A_370 = tpu.iota {dimensions = array<i32: 0>} : vector<16xi32>
      %add3A_371 = arith.constant 48 : i32
      %add3A_372 = vector.broadcast %add3A_371 : i32 to vector<16xi32>
      %add3A_373 = arith.addi %iota3A_370, %add3A_372 : vector<16xi32>
      %get3A_374 = arith.index_cast %add3A_318 : i32 to index
      %get3A_375 = arith.constant 48 : index
      %get3A_376 = tpu.vector_load %arg10[%get3A_374, %get3A_375] {strides = array<i32>} : memref<32x64xi32, #tpu.memory_space<vmem>>, vector<16xi32>,
      %get3A_377 = arith.index_cast %add3A_318 : i32 to index
      %get3A_378 = arith.constant 48 : index
      %get3A_379 = tpu.vector_load %arg11[%get3A_377, %get3A_378] {strides = array<i32>} : memref<32x64xi32, #tpu.memory_space<vmem>>, vector<16xi32>,
      %gather3A_380 = tpu.vector_load_idx %arg13[%add3A_373, %get3A_379] : memref<50x1000xf32, #tpu.memory_space<vmem>>[vector<16xi32>, vector<16xi32>], vector<16xf32>,
      %gather3A_381 = tpu.vector_load_idx %arg14[%get3A_376] : memref<1000xf32, #tpu.memory_space<vmem>>[vector<16xi32>], vector<16xf32>,
      %mul3A_382 = arith.constant 50 : i32
      %mul3A_383 = arith.muli %add3A_318, %mul3A_382 : i32
      %add3A_384 = vector.broadcast %mul3A_383 : i32 to vector<16xi32>
      %add3A_385 = arith.addi %add3A_384, %add3A_373 : vector<16xi32>
      %sub3A_386 = arith.subf %gather3A_381, %gather3A_380 : vector<16xf32>
      tpu.vector_store_idx %arg15[%add3A_385], %sub3A_386 : memref<1664xf32, #tpu.memory_space<vmem>>[vector<16xi32>], vector<16xf32>,
      %dma_wait3A_387 = arith.constant 0 : i32
      %dma_wait3A_388 = arith.constant 0 : i32
      %dma_wait3A_389 = tpu.memref_slice %arg7[%mul3A_2, %dma_wait3A_387, %dma_wait3A_388] : memref<1024x50x1000xf32, #tpu.memory_space<hbm>> -> memref<1x50x1000xf32, #tpu.memory_space<hbm>>
      %dma_wait3A_390 = tpu.memref_squeeze %dma_wait3A_389 : memref<1x50x1000xf32, #tpu.memory_space<hbm>> -> memref<50x1000xf32, #tpu.memory_space<hbm>>
      %dma_wait3A_391 = arith.constant 0 : i32
      %dma_wait3A_392 = arith.constant 0 : i32
      %dma_wait3A_393 = tpu.memref_slice %arg7[%mul3A_2, %dma_wait3A_391, %dma_wait3A_392] : memref<1024x50x1000xf32, #tpu.memory_space<hbm>> -> memref<1x50x1000xf32, #tpu.memory_space<hbm>>
      %dma_wait3A_394 = tpu.memref_squeeze %dma_wait3A_393 : memref<1x50x1000xf32, #tpu.memory_space<hbm>> -> memref<50x1000xf32, #tpu.memory_space<hbm>>
      tpu.wait_dma2 semaphore(%arg18 : memref<!tpu.dma_semaphore, #tpu.memory_space<semaphore_mem>>) src(%arg12 : memref<50x1000xf32, #tpu.memory_space<vmem>>) dst(%dma_wait3A_394 : memref<50x1000xf32, #tpu.memory_space<hbm>>)
      %add3A_395 = arith.constant 2 : i32
      %add3A_396 = arith.addi %mul3A_214, %add3A_395 : i32
      %dma_start3A_397 = arith.constant 0 : i32
      %dma_start3A_398 = tpu.memref_slice %arg9[%add3A_396, %dma_start3A_397] : memref<32x50xi32, #tpu.memory_space<vmem>> -> memref<1x50xi32, #tpu.memory_space<vmem>>
      %dma_start3A_399 = tpu.memref_squeeze %dma_start3A_398 : memref<1x50xi32, #tpu.memory_space<vmem>> -> memref<50xi32, #tpu.memory_space<vmem>>
      %dma_start3A_400 = arith.constant 0 : i32
      %dma_start3A_401 = arith.constant 0 : i32
      %dma_start3A_402 = tpu.memref_slice %arg2[%dma_start3A_400, %dma_start3A_401] : memref<1000x1000xf32, #tpu.memory_space<hbm>> -> memref<1000x1000xf32, #tpu.memory_space<hbm>>
      tpu.enqueue_indirect_dma source(%dma_start3A_402 : memref<1000x1000xf32, #tpu.memory_space<hbm>>) target(%arg12 : memref<50x1000xf32, #tpu.memory_space<vmem>>) offsets(%dma_start3A_399 : memref<50xi32, #tpu.memory_space<vmem>>) semaphore(%arg16 : memref<!tpu.dma_semaphore, #tpu.memory_space<semaphore_mem>>)
      %dma_wait3A_403 = arith.constant 0 : i32
      %dma_wait3A_404 = arith.constant 0 : i32
      %dma_wait3A_405 = tpu.memref_slice %arg7[%mul3A_2, %dma_wait3A_403, %dma_wait3A_404] : memref<1024x50x1000xf32, #tpu.memory_space<hbm>> -> memref<1x50x1000xf32, #tpu.memory_space<hbm>>
      %dma_wait3A_406 = tpu.memref_squeeze %dma_wait3A_405 : memref<1x50x1000xf32, #tpu.memory_space<hbm>> -> memref<50x1000xf32, #tpu.memory_space<hbm>>
      %dma_wait3A_407 = arith.constant 0 : i32
      %dma_wait3A_408 = arith.constant 0 : i32
      %dma_wait3A_409 = tpu.memref_slice %arg7[%mul3A_2, %dma_wait3A_407, %dma_wait3A_408] : memref<1024x50x1000xf32, #tpu.memory_space<hbm>> -> memref<1x50x1000xf32, #tpu.memory_space<hbm>>
      %dma_wait3A_410 = tpu.memref_squeeze %dma_wait3A_409 : memref<1x50x1000xf32, #tpu.memory_space<hbm>> -> memref<50x1000xf32, #tpu.memory_space<hbm>>
      tpu.wait_dma2 semaphore(%arg19 : memref<!tpu.dma_semaphore, #tpu.memory_space<semaphore_mem>>) src(%arg13 : memref<50x1000xf32, #tpu.memory_space<vmem>>) dst(%dma_wait3A_410 : memref<50x1000xf32, #tpu.memory_space<hbm>>)
      %add3A_411 = arith.constant 3 : i32
      %add3A_412 = arith.addi %mul3A_214, %add3A_411 : i32
      %dma_start3A_413 = arith.constant 0 : i32
      %dma_start3A_414 = tpu.memref_slice %arg9[%add3A_412, %dma_start3A_413] : memref<32x50xi32, #tpu.memory_space<vmem>> -> memref<1x50xi32, #tpu.memory_space<vmem>>
      %dma_start3A_415 = tpu.memref_squeeze %dma_start3A_414 : memref<1x50xi32, #tpu.memory_space<vmem>> -> memref<50xi32, #tpu.memory_space<vmem>>
      %dma_start3A_416 = arith.constant 0 : i32
      %dma_start3A_417 = arith.constant 0 : i32
      %dma_start3A_418 = tpu.memref_slice %arg2[%dma_start3A_416, %dma_start3A_417] : memref<1000x1000xf32, #tpu.memory_space<hbm>> -> memref<1000x1000xf32, #tpu.memory_space<hbm>>
      tpu.enqueue_indirect_dma source(%dma_start3A_418 : memref<1000x1000xf32, #tpu.memory_space<hbm>>) target(%arg13 : memref<50x1000xf32, #tpu.memory_space<vmem>>) offsets(%dma_start3A_415 : memref<50xi32, #tpu.memory_space<vmem>>) semaphore(%arg17 : memref<!tpu.dma_semaphore, #tpu.memory_space<semaphore_mem>>)
    }
    %scan3A_22 = arith.constant 15 : i32
    %dma_wait3A = arith.constant 0 : i32
    %dma_wait3A_23 = arith.constant 0 : i32
    %dma_wait3A_24 = tpu.memref_slice %arg9[%dma_wait3A, %dma_wait3A_23] : memref<32x50xi32, #tpu.memory_space<vmem>> -> memref<1x50xi32, #tpu.memory_space<vmem>>
    %dma_wait3A_25 = tpu.memref_squeeze %dma_wait3A_24 : memref<1x50xi32, #tpu.memory_space<vmem>> -> memref<50xi32, #tpu.memory_space<vmem>>
    %dma_wait3A_26 = arith.constant 0 : i32
    %dma_wait3A_27 = arith.constant 0 : i32
    %dma_wait3A_28 = tpu.memref_slice %arg2[%dma_wait3A_26, %dma_wait3A_27] : memref<1000x1000xf32, #tpu.memory_space<hbm>> -> memref<1000x1000xf32, #tpu.memory_space<hbm>>
    tpu.wait_indirect_dma semaphore(%arg16 : memref<!tpu.dma_semaphore, #tpu.memory_space<semaphore_mem>>) src(%dma_wait3A_28 : memref<1000x1000xf32, #tpu.memory_space<hbm>>) dst(%arg12 : memref<50x1000xf32, #tpu.memory_space<vmem>>)
    %add3A_29 = arith.constant 30 : i32
    %add3A_30 = arith.addi %mul3A_2, %add3A_29 : i32
    %dma_start3A_31 = arith.constant 0 : i32
    %dma_start3A_32 = arith.constant 0 : i32
    %dma_start3A_33 = tpu.memref_slice %arg7[%add3A_30, %dma_start3A_31, %dma_start3A_32] : memref<1024x50x1000xf32, #tpu.memory_space<hbm>> -> memref<1x50x1000xf32, #tpu.memory_space<hbm>>
    %dma_start3A_34 = tpu.memref_squeeze %dma_start3A_33 : memref<1x50x1000xf32, #tpu.memory_space<hbm>> -> memref<50x1000xf32, #tpu.memory_space<hbm>>
    %dma_start3A_35 = arith.constant 0 : i32
    %dma_start3A_36 = arith.constant 0 : i32
    %dma_start3A_37 = tpu.memref_slice %arg7[%add3A_30, %dma_start3A_35, %dma_start3A_36] : memref<1024x50x1000xf32, #tpu.memory_space<hbm>> -> memref<1x50x1000xf32, #tpu.memory_space<hbm>>
    %dma_start3A_38 = tpu.memref_squeeze %dma_start3A_37 : memref<1x50x1000xf32, #tpu.memory_space<hbm>> -> memref<50x1000xf32, #tpu.memory_space<hbm>>
    tpu.enqueue_dma source(%arg12 : memref<50x1000xf32, #tpu.memory_space<vmem>>) target(%dma_start3A_38 : memref<50x1000xf32, #tpu.memory_space<hbm>>) target_semaphore(%arg18 : memref<!tpu.dma_semaphore, #tpu.memory_space<semaphore_mem>>)
    %iota3A = tpu.iota {dimensions = array<i32: 0>} : vector<16xi32>
    %add3A_39 = arith.constant 0 : i32
    %add3A_40 = vector.broadcast %add3A_39 : i32 to vector<16xi32>
    %add3A_41 = arith.addi %iota3A, %add3A_40 : vector<16xi32>
    %get3A = arith.constant 30 : i32
    %get3A_42 = arith.index_cast %get3A : i32 to index
    %get3A_43 = arith.constant 0 : index
    %get3A_44 = tpu.vector_load %arg10[%get3A_42, %get3A_43] {strides = array<i32>} : memref<32x64xi32, #tpu.memory_space<vmem>>, vector<16xi32>,
    %get3A_45 = arith.constant 30 : i32
    %get3A_46 = arith.index_cast %get3A_45 : i32 to index
    %get3A_47 = arith.constant 0 : index
    %get3A_48 = tpu.vector_load %arg11[%get3A_46, %get3A_47] {strides = array<i32>} : memref<32x64xi32, #tpu.memory_space<vmem>>, vector<16xi32>,
    %gather3A = tpu.vector_load_idx %arg12[%add3A_41, %get3A_48] : memref<50x1000xf32, #tpu.memory_space<vmem>>[vector<16xi32>, vector<16xi32>], vector<16xf32>,
    %gather3A_49 = tpu.vector_load_idx %arg14[%get3A_44] : memref<1000xf32, #tpu.memory_space<vmem>>[vector<16xi32>], vector<16xf32>,
    %add3A_50 = arith.constant 1500 : i32
    %add3A_51 = vector.broadcast %add3A_50 : i32 to vector<16xi32>
    %add3A_52 = arith.addi %add3A_51, %add3A_41 : vector<16xi32>
    %sub3A = arith.subf %gather3A_49, %gather3A : vector<16xf32>
    tpu.vector_store_idx %arg15[%add3A_52], %sub3A : memref<1664xf32, #tpu.memory_space<vmem>>[vector<16xi32>], vector<16xf32>,
    %iota3A_53 = tpu.iota {dimensions = array<i32: 0>} : vector<16xi32>
    %add3A_54 = arith.constant 16 : i32
    %add3A_55 = vector.broadcast %add3A_54 : i32 to vector<16xi32>
    %add3A_56 = arith.addi %iota3A_53, %add3A_55 : vector<16xi32>
    %get3A_57 = arith.constant 30 : i32
    %get3A_58 = arith.index_cast %get3A_57 : i32 to index
    %get3A_59 = arith.constant 16 : index
    %get3A_60 = tpu.vector_load %arg10[%get3A_58, %get3A_59] {strides = array<i32>} : memref<32x64xi32, #tpu.memory_space<vmem>>, vector<16xi32>,
    %get3A_61 = arith.constant 30 : i32
    %get3A_62 = arith.index_cast %get3A_61 : i32 to index
    %get3A_63 = arith.constant 16 : index
    %get3A_64 = tpu.vector_load %arg11[%get3A_62, %get3A_63] {strides = array<i32>} : memref<32x64xi32, #tpu.memory_space<vmem>>, vector<16xi32>,
    %gather3A_65 = tpu.vector_load_idx %arg12[%add3A_56, %get3A_64] : memref<50x1000xf32, #tpu.memory_space<vmem>>[vector<16xi32>, vector<16xi32>], vector<16xf32>,
    %gather3A_66 = tpu.vector_load_idx %arg14[%get3A_60] : memref<1000xf32, #tpu.memory_space<vmem>>[vector<16xi32>], vector<16xf32>,
    %add3A_67 = arith.constant 1500 : i32
    %add3A_68 = vector.broadcast %add3A_67 : i32 to vector<16xi32>
    %add3A_69 = arith.addi %add3A_68, %add3A_56 : vector<16xi32>
    %sub3A_70 = arith.subf %gather3A_66, %gather3A_65 : vector<16xf32>
    tpu.vector_store_idx %arg15[%add3A_69], %sub3A_70 : memref<1664xf32, #tpu.memory_space<vmem>>[vector<16xi32>], vector<16xf32>,
    %iota3A_71 = tpu.iota {dimensions = array<i32: 0>} : vector<16xi32>
    %add3A_72 = arith.constant 32 : i32
    %add3A_73 = vector.broadcast %add3A_72 : i32 to vector<16xi32>
    %add3A_74 = arith.addi %iota3A_71, %add3A_73 : vector<16xi32>
    %get3A_75 = arith.constant 30 : i32
    %get3A_76 = arith.index_cast %get3A_75 : i32 to index
    %get3A_77 = arith.constant 32 : index
    %get3A_78 = tpu.vector_load %arg10[%get3A_76, %get3A_77] {strides = array<i32>} : memref<32x64xi32, #tpu.memory_space<vmem>>, vector<16xi32>,
    %get3A_79 = arith.constant 30 : i32
    %get3A_80 = arith.index_cast %get3A_79 : i32 to index
    %get3A_81 = arith.constant 32 : index
    %get3A_82 = tpu.vector_load %arg11[%get3A_80, %get3A_81] {strides = array<i32>} : memref<32x64xi32, #tpu.memory_space<vmem>>, vector<16xi32>,
    %gather3A_83 = tpu.vector_load_idx %arg12[%add3A_74, %get3A_82] : memref<50x1000xf32, #tpu.memory_space<vmem>>[vector<16xi32>, vector<16xi32>], vector<16xf32>,
    %gather3A_84 = tpu.vector_load_idx %arg14[%get3A_78] : memref<1000xf32, #tpu.memory_space<vmem>>[vector<16xi32>], vector<16xf32>,
    %add3A_85 = arith.constant 1500 : i32
    %add3A_86 = vector.broadcast %add3A_85 : i32 to vector<16xi32>
    %add3A_87 = arith.addi %add3A_86, %add3A_74 : vector<16xi32>
    %sub3A_88 = arith.subf %gather3A_84, %gather3A_83 : vector<16xf32>
    tpu.vector_store_idx %arg15[%add3A_87], %sub3A_88 : memref<1664xf32, #tpu.memory_space<vmem>>[vector<16xi32>], vector<16xf32>,
    %iota3A_89 = tpu.iota {dimensions = array<i32: 0>} : vector<16xi32>
    %add3A_90 = arith.constant 48 : i32
    %add3A_91 = vector.broadcast %add3A_90 : i32 to vector<16xi32>
    %add3A_92 = arith.addi %iota3A_89, %add3A_91 : vector<16xi32>
    %get3A_93 = arith.constant 30 : i32
    %get3A_94 = arith.index_cast %get3A_93 : i32 to index
    %get3A_95 = arith.constant 48 : index
    %get3A_96 = tpu.vector_load %arg10[%get3A_94, %get3A_95] {strides = array<i32>} : memref<32x64xi32, #tpu.memory_space<vmem>>, vector<16xi32>,
    %get3A_97 = arith.constant 30 : i32
    %get3A_98 = arith.index_cast %get3A_97 : i32 to index
    %get3A_99 = arith.constant 48 : index
    %get3A_100 = tpu.vector_load %arg11[%get3A_98, %get3A_99] {strides = array<i32>} : memref<32x64xi32, #tpu.memory_space<vmem>>, vector<16xi32>,
    %gather3A_101 = tpu.vector_load_idx %arg12[%add3A_92, %get3A_100] : memref<50x1000xf32, #tpu.memory_space<vmem>>[vector<16xi32>, vector<16xi32>], vector<16xf32>,
    %gather3A_102 = tpu.vector_load_idx %arg14[%get3A_96] : memref<1000xf32, #tpu.memory_space<vmem>>[vector<16xi32>], vector<16xf32>,
    %add3A_103 = arith.constant 1500 : i32
    %add3A_104 = vector.broadcast %add3A_103 : i32 to vector<16xi32>
    %add3A_105 = arith.addi %add3A_104, %add3A_92 : vector<16xi32>
    %sub3A_106 = arith.subf %gather3A_102, %gather3A_101 : vector<16xf32>
    tpu.vector_store_idx %arg15[%add3A_105], %sub3A_106 : memref<1664xf32, #tpu.memory_space<vmem>>[vector<16xi32>], vector<16xf32>,
    %dma_wait3A_107 = arith.constant 0 : i32
    %dma_wait3A_108 = arith.constant 0 : i32
    %dma_wait3A_109 = tpu.memref_slice %arg9[%dma_wait3A_107, %dma_wait3A_108] : memref<32x50xi32, #tpu.memory_space<vmem>> -> memref<1x50xi32, #tpu.memory_space<vmem>>
    %dma_wait3A_110 = tpu.memref_squeeze %dma_wait3A_109 : memref<1x50xi32, #tpu.memory_space<vmem>> -> memref<50xi32, #tpu.memory_space<vmem>>
    %dma_wait3A_111 = arith.constant 0 : i32
    %dma_wait3A_112 = arith.constant 0 : i32
    %dma_wait3A_113 = tpu.memref_slice %arg2[%dma_wait3A_111, %dma_wait3A_112] : memref<1000x1000xf32, #tpu.memory_space<hbm>> -> memref<1000x1000xf32, #tpu.memory_space<hbm>>
    tpu.wait_indirect_dma semaphore(%arg17 : memref<!tpu.dma_semaphore, #tpu.memory_space<semaphore_mem>>) src(%dma_wait3A_113 : memref<1000x1000xf32, #tpu.memory_space<hbm>>) dst(%arg13 : memref<50x1000xf32, #tpu.memory_space<vmem>>)
    %add3A_114 = arith.constant 31 : i32
    %add3A_115 = arith.addi %mul3A_2, %add3A_114 : i32
    %dma_start3A_116 = arith.constant 0 : i32
    %dma_start3A_117 = arith.constant 0 : i32
    %dma_start3A_118 = tpu.memref_slice %arg7[%add3A_115, %dma_start3A_116, %dma_start3A_117] : memref<1024x50x1000xf32, #tpu.memory_space<hbm>> -> memref<1x50x1000xf32, #tpu.memory_space<hbm>>
    %dma_start3A_119 = tpu.memref_squeeze %dma_start3A_118 : memref<1x50x1000xf32, #tpu.memory_space<hbm>> -> memref<50x1000xf32, #tpu.memory_space<hbm>>
    %dma_start3A_120 = arith.constant 0 : i32
    %dma_start3A_121 = arith.constant 0 : i32
    %dma_start3A_122 = tpu.memref_slice %arg7[%add3A_115, %dma_start3A_120, %dma_start3A_121] : memref<1024x50x1000xf32, #tpu.memory_space<hbm>> -> memref<1x50x1000xf32, #tpu.memory_space<hbm>>
    %dma_start3A_123 = tpu.memref_squeeze %dma_start3A_122 : memref<1x50x1000xf32, #tpu.memory_space<hbm>> -> memref<50x1000xf32, #tpu.memory_space<hbm>>
    tpu.enqueue_dma source(%arg13 : memref<50x1000xf32, #tpu.memory_space<vmem>>) target(%dma_start3A_123 : memref<50x1000xf32, #tpu.memory_space<hbm>>) target_semaphore(%arg19 : memref<!tpu.dma_semaphore, #tpu.memory_space<semaphore_mem>>)
    %iota3A_124 = tpu.iota {dimensions = array<i32: 0>} : vector<16xi32>
    %add3A_125 = arith.constant 0 : i32
    %add3A_126 = vector.broadcast %add3A_125 : i32 to vector<16xi32>
    %add3A_127 = arith.addi %iota3A_124, %add3A_126 : vector<16xi32>
    %get3A_128 = arith.constant 31 : i32
    %get3A_129 = arith.index_cast %get3A_128 : i32 to index
    %get3A_130 = arith.constant 0 : index
    %get3A_131 = tpu.vector_load %arg10[%get3A_129, %get3A_130] {strides = array<i32>} : memref<32x64xi32, #tpu.memory_space<vmem>>, vector<16xi32>,
    %get3A_132 = arith.constant 31 : i32
    %get3A_133 = arith.index_cast %get3A_132 : i32 to index
    %get3A_134 = arith.constant 0 : index
    %get3A_135 = tpu.vector_load %arg11[%get3A_133, %get3A_134] {strides = array<i32>} : memref<32x64xi32, #tpu.memory_space<vmem>>, vector<16xi32>,
    %gather3A_136 = tpu.vector_load_idx %arg13[%add3A_127, %get3A_135] : memref<50x1000xf32, #tpu.memory_space<vmem>>[vector<16xi32>, vector<16xi32>], vector<16xf32>,
    %gather3A_137 = tpu.vector_load_idx %arg14[%get3A_131] : memref<1000xf32, #tpu.memory_space<vmem>>[vector<16xi32>], vector<16xf32>,
    %add3A_138 = arith.constant 1550 : i32
    %add3A_139 = vector.broadcast %add3A_138 : i32 to vector<16xi32>
    %add3A_140 = arith.addi %add3A_139, %add3A_127 : vector<16xi32>
    %sub3A_141 = arith.subf %gather3A_137, %gather3A_136 : vector<16xf32>
    tpu.vector_store_idx %arg15[%add3A_140], %sub3A_141 : memref<1664xf32, #tpu.memory_space<vmem>>[vector<16xi32>], vector<16xf32>,
    %iota3A_142 = tpu.iota {dimensions = array<i32: 0>} : vector<16xi32>
    %add3A_143 = arith.constant 16 : i32
    %add3A_144 = vector.broadcast %add3A_143 : i32 to vector<16xi32>
    %add3A_145 = arith.addi %iota3A_142, %add3A_144 : vector<16xi32>
    %get3A_146 = arith.constant 31 : i32
    %get3A_147 = arith.index_cast %get3A_146 : i32 to index
    %get3A_148 = arith.constant 16 : index
    %get3A_149 = tpu.vector_load %arg10[%get3A_147, %get3A_148] {strides = array<i32>} : memref<32x64xi32, #tpu.memory_space<vmem>>, vector<16xi32>,
    %get3A_150 = arith.constant 31 : i32
    %get3A_151 = arith.index_cast %get3A_150 : i32 to index
    %get3A_152 = arith.constant 16 : index
    %get3A_153 = tpu.vector_load %arg11[%get3A_151, %get3A_152] {strides = array<i32>} : memref<32x64xi32, #tpu.memory_space<vmem>>, vector<16xi32>,
    %gather3A_154 = tpu.vector_load_idx %arg13[%add3A_145, %get3A_153] : memref<50x1000xf32, #tpu.memory_space<vmem>>[vector<16xi32>, vector<16xi32>], vector<16xf32>,
    %gather3A_155 = tpu.vector_load_idx %arg14[%get3A_149] : memref<1000xf32, #tpu.memory_space<vmem>>[vector<16xi32>], vector<16xf32>,
    %add3A_156 = arith.constant 1550 : i32
    %add3A_157 = vector.broadcast %add3A_156 : i32 to vector<16xi32>
    %add3A_158 = arith.addi %add3A_157, %add3A_145 : vector<16xi32>
    %sub3A_159 = arith.subf %gather3A_155, %gather3A_154 : vector<16xf32>
    tpu.vector_store_idx %arg15[%add3A_158], %sub3A_159 : memref<1664xf32, #tpu.memory_space<vmem>>[vector<16xi32>], vector<16xf32>,
    %iota3A_160 = tpu.iota {dimensions = array<i32: 0>} : vector<16xi32>
    %add3A_161 = arith.constant 32 : i32
    %add3A_162 = vector.broadcast %add3A_161 : i32 to vector<16xi32>
    %add3A_163 = arith.addi %iota3A_160, %add3A_162 : vector<16xi32>
    %get3A_164 = arith.constant 31 : i32
    %get3A_165 = arith.index_cast %get3A_164 : i32 to index
    %get3A_166 = arith.constant 32 : index
    %get3A_167 = tpu.vector_load %arg10[%get3A_165, %get3A_166] {strides = array<i32>} : memref<32x64xi32, #tpu.memory_space<vmem>>, vector<16xi32>,
    %get3A_168 = arith.constant 31 : i32
    %get3A_169 = arith.index_cast %get3A_168 : i32 to index
    %get3A_170 = arith.constant 32 : index
    %get3A_171 = tpu.vector_load %arg11[%get3A_169, %get3A_170] {strides = array<i32>} : memref<32x64xi32, #tpu.memory_space<vmem>>, vector<16xi32>,
    %gather3A_172 = tpu.vector_load_idx %arg13[%add3A_163, %get3A_171] : memref<50x1000xf32, #tpu.memory_space<vmem>>[vector<16xi32>, vector<16xi32>], vector<16xf32>,
    %gather3A_173 = tpu.vector_load_idx %arg14[%get3A_167] : memref<1000xf32, #tpu.memory_space<vmem>>[vector<16xi32>], vector<16xf32>,
    %add3A_174 = arith.constant 1550 : i32
    %add3A_175 = vector.broadcast %add3A_174 : i32 to vector<16xi32>
    %add3A_176 = arith.addi %add3A_175, %add3A_163 : vector<16xi32>
    %sub3A_177 = arith.subf %gather3A_173, %gather3A_172 : vector<16xf32>
    tpu.vector_store_idx %arg15[%add3A_176], %sub3A_177 : memref<1664xf32, #tpu.memory_space<vmem>>[vector<16xi32>], vector<16xf32>,
    %iota3A_178 = tpu.iota {dimensions = array<i32: 0>} : vector<16xi32>
    %add3A_179 = arith.constant 48 : i32
    %add3A_180 = vector.broadcast %add3A_179 : i32 to vector<16xi32>
    %add3A_181 = arith.addi %iota3A_178, %add3A_180 : vector<16xi32>
    %get3A_182 = arith.constant 31 : i32
    %get3A_183 = arith.index_cast %get3A_182 : i32 to index
    %get3A_184 = arith.constant 48 : index
    %get3A_185 = tpu.vector_load %arg10[%get3A_183, %get3A_184] {strides = array<i32>} : memref<32x64xi32, #tpu.memory_space<vmem>>, vector<16xi32>,
    %get3A_186 = arith.constant 31 : i32
    %get3A_187 = arith.index_cast %get3A_186 : i32 to index
    %get3A_188 = arith.constant 48 : index
    %get3A_189 = tpu.vector_load %arg11[%get3A_187, %get3A_188] {strides = array<i32>} : memref<32x64xi32, #tpu.memory_space<vmem>>, vector<16xi32>,
    %gather3A_190 = tpu.vector_load_idx %arg13[%add3A_181, %get3A_189] : memref<50x1000xf32, #tpu.memory_space<vmem>>[vector<16xi32>, vector<16xi32>], vector<16xf32>,
    %gather3A_191 = tpu.vector_load_idx %arg14[%get3A_185] : memref<1000xf32, #tpu.memory_space<vmem>>[vector<16xi32>], vector<16xf32>,
    %add3A_192 = arith.constant 1550 : i32
    %add3A_193 = vector.broadcast %add3A_192 : i32 to vector<16xi32>
    %add3A_194 = arith.addi %add3A_193, %add3A_181 : vector<16xi32>
    %sub3A_195 = arith.subf %gather3A_191, %gather3A_190 : vector<16xf32>
    tpu.vector_store_idx %arg15[%add3A_194], %sub3A_195 : memref<1664xf32, #tpu.memory_space<vmem>>[vector<16xi32>], vector<16xf32>,
    %dma_wait3A_196 = arith.constant 0 : i32
    %dma_wait3A_197 = arith.constant 0 : i32
    %dma_wait3A_198 = tpu.memref_slice %arg7[%mul3A_2, %dma_wait3A_196, %dma_wait3A_197] : memref<1024x50x1000xf32, #tpu.memory_space<hbm>> -> memref<1x50x1000xf32, #tpu.memory_space<hbm>>
    %dma_wait3A_199 = tpu.memref_squeeze %dma_wait3A_198 : memref<1x50x1000xf32, #tpu.memory_space<hbm>> -> memref<50x1000xf32, #tpu.memory_space<hbm>>
    %dma_wait3A_200 = arith.constant 0 : i32
    %dma_wait3A_201 = arith.constant 0 : i32
    %dma_wait3A_202 = tpu.memref_slice %arg7[%mul3A_2, %dma_wait3A_200, %dma_wait3A_201] : memref<1024x50x1000xf32, #tpu.memory_space<hbm>> -> memref<1x50x1000xf32, #tpu.memory_space<hbm>>
    %dma_wait3A_203 = tpu.memref_squeeze %dma_wait3A_202 : memref<1x50x1000xf32, #tpu.memory_space<hbm>> -> memref<50x1000xf32, #tpu.memory_space<hbm>>
    tpu.wait_dma2 semaphore(%arg18 : memref<!tpu.dma_semaphore, #tpu.memory_space<semaphore_mem>>) src(%arg12 : memref<50x1000xf32, #tpu.memory_space<vmem>>) dst(%dma_wait3A_203 : memref<50x1000xf32, #tpu.memory_space<hbm>>)
    %dma_wait3A_204 = arith.constant 0 : i32
    %dma_wait3A_205 = arith.constant 0 : i32
    %dma_wait3A_206 = tpu.memref_slice %arg7[%mul3A_2, %dma_wait3A_204, %dma_wait3A_205] : memref<1024x50x1000xf32, #tpu.memory_space<hbm>> -> memref<1x50x1000xf32, #tpu.memory_space<hbm>>
    %dma_wait3A_207 = tpu.memref_squeeze %dma_wait3A_206 : memref<1x50x1000xf32, #tpu.memory_space<hbm>> -> memref<50x1000xf32, #tpu.memory_space<hbm>>
    %dma_wait3A_208 = arith.constant 0 : i32
    %dma_wait3A_209 = arith.constant 0 : i32
    %dma_wait3A_210 = tpu.memref_slice %arg7[%mul3A_2, %dma_wait3A_208, %dma_wait3A_209] : memref<1024x50x1000xf32, #tpu.memory_space<hbm>> -> memref<1x50x1000xf32, #tpu.memory_space<hbm>>
    %dma_wait3A_211 = tpu.memref_squeeze %dma_wait3A_210 : memref<1x50x1000xf32, #tpu.memory_space<hbm>> -> memref<50x1000xf32, #tpu.memory_space<hbm>>
    tpu.wait_dma2 semaphore(%arg19 : memref<!tpu.dma_semaphore, #tpu.memory_space<semaphore_mem>>) src(%arg13 : memref<50x1000xf32, #tpu.memory_space<vmem>>) dst(%dma_wait3A_211 : memref<50x1000xf32, #tpu.memory_space<hbm>>)
    "tpu.region"() ({
      %run_scoped3A = tpu.sem_alloc : memref<!tpu.dma_semaphore, #tpu.memory_space<semaphore_mem>>
      %dma_start3A_212 = arith.constant 0 : i32
      %dma_start3A_213 = tpu.memref_slice %arg15[%dma_start3A_212] : memref<1664xf32, #tpu.memory_space<vmem>> -> memref<1600xf32, #tpu.memory_space<vmem>>
      %dma_start3A_214 = tpu.memref_slice %arg8[%mul3A_4] : memref<51200xf32, #tpu.memory_space<hbm>> -> memref<1600xf32, #tpu.memory_space<hbm>>
      %dma_start3A_215 = tpu.memref_slice %arg8[%mul3A_4] : memref<51200xf32, #tpu.memory_space<hbm>> -> memref<1600xf32, #tpu.memory_space<hbm>>
      %dma_start3A_216 = arith.constant 0 : i32
      %dma_start3A_217 = tpu.memref_slice %arg15[%dma_start3A_216] : memref<1664xf32, #tpu.memory_space<vmem>> -> memref<1600xf32, #tpu.memory_space<vmem>>
      tpu.enqueue_dma source(%dma_start3A_217 : memref<1600xf32, #tpu.memory_space<vmem>>) target(%dma_start3A_215 : memref<1600xf32, #tpu.memory_space<hbm>>) target_semaphore(%run_scoped3A : memref<!tpu.dma_semaphore, #tpu.memory_space<semaphore_mem>>)
      %dma_wait3A_218 = arith.constant 0 : i32
      %dma_wait3A_219 = tpu.memref_slice %arg15[%dma_wait3A_218] : memref<1664xf32, #tpu.memory_space<vmem>> -> memref<1600xf32, #tpu.memory_space<vmem>>
      %dma_wait3A_220 = tpu.memref_slice %arg8[%mul3A_4] : memref<51200xf32, #tpu.memory_space<hbm>> -> memref<1600xf32, #tpu.memory_space<hbm>>
      %dma_wait3A_221 = tpu.memref_slice %arg8[%mul3A_4] : memref<51200xf32, #tpu.memory_space<hbm>> -> memref<1600xf32, #tpu.memory_space<hbm>>
      %dma_wait3A_222 = arith.constant 0 : i32
      %dma_wait3A_223 = tpu.memref_slice %arg15[%dma_wait3A_222] : memref<1664xf32, #tpu.memory_space<vmem>> -> memref<1600xf32, #tpu.memory_space<vmem>>
      tpu.wait_dma2 semaphore(%run_scoped3A : memref<!tpu.dma_semaphore, #tpu.memory_space<semaphore_mem>>) src(%dma_wait3A_223 : memref<1600xf32, #tpu.memory_space<vmem>>) dst(%dma_wait3A_221 : memref<1600xf32, #tpu.memory_space<hbm>>)
      tpu.yield
    }) : () -> ()
    return
  }
}

module attributes {stable_mosaic.version = 14 : i64} {
  func.func @_lse_body(%arg0: memref<1000x1000xf32, #tpu.memory_space<vmem>>, %arg1: memref<1000x1xf32, #tpu.memory_space<vmem>>) attributes {dimension_semantics = [], scalar_prefetch = 0 : i64, scratch_operands = 0 : i64, tpu.core_type = #tpu.core_type<tc>} {
    %get3A = arith.constant 0 : index
    %get3A_0 = arith.constant 0 : index
    %get3A_1 = vector.load %arg0[%get3A, %get3A_0] : memref<1000x1000xf32, #tpu.memory_space<vmem>>, vector<1000x1000xf32>
    %reduce_max3A = arith.constant dense<0xFF800000> : vector<1000xf32>
    %reduce_max3A_2 = vector.multi_reduction <maximumf>, %get3A_1, %reduce_max3A [1] : vector<1000x1000xf32> to vector<1000xf32>
    %broadcast_in_dim3A = vector.shape_cast %reduce_max3A_2 : vector<1000xf32> to vector<1000x1xf32>
    %sub3A = vector.broadcast %broadcast_in_dim3A : vector<1000x1xf32> to vector<1000x1000xf32>
    %sub3A_3 = arith.subf %get3A_1, %sub3A : vector<1000x1000xf32>
    %exp3A = math.exp %sub3A_3 : vector<1000x1000xf32>
    %reduce_sum3A = arith.constant dense<0.000000e+00> : vector<1000xf32>
    %reduce_sum3A_4 = vector.multi_reduction <add>, %exp3A, %reduce_sum3A [1] : vector<1000x1000xf32> to vector<1000xf32>
    %broadcast_in_dim3A_5 = vector.shape_cast %reduce_sum3A_4 : vector<1000xf32> to vector<1000x1xf32>
    %log3A = math.log %broadcast_in_dim3A_5 : vector<1000x1xf32>
    %add3A = arith.addf %log3A, %broadcast_in_dim3A : vector<1000x1xf32>
    %swap3A = arith.constant 0 : index
    %swap3A_6 = arith.constant 0 : index
    %swap3A_7 = vector.load %arg1[%swap3A, %swap3A_6] : memref<1000x1xf32, #tpu.memory_space<vmem>>, vector<1000x1xf32>
    tpu.vector_store %arg1[%swap3A, %swap3A_6], %add3A {strides = array<i32>} : memref<1000x1xf32, #tpu.memory_space<vmem>>, vector<1000x1xf32>,
    return
  }
}

</mosaic_0001>

<sc_bundles>
// kernel: kernel.4.cloned.1.call-start
scs
__scs_entry_jumppad:
0x0: {  	(pc) =	sbr.rel $0x88, $3  }
0x1: {  	(tag) =	ssettag $0x0;
	lr =	simm.s32 $0x1  }
0x2: {  	[smem:$0x3F9E] =	sst lr;
	_ =	strace $0xD0000000  }
0x3: {  	_ = 	snop  }
0x4: {  	_ = 	snop  }
0x5: {  	_ = 	snop  }
0x6: {  	_ = 	snop  }
0x7: {  	_ = 	snop  }
__scs_overlays_trampoline_lowered:
0x8: {  	[smem:$0x3FAD] =	sst s0  }
0x9: {  	[smem:$0x3FAE] =	sst s1  }
0xa: {  	[smem:$0x3FAF] =	sst s2  }
0xb: {  	[smem:$0x3FB0] =	sst s3  }
0xc: {  	[smem:$0x3FB1] =	sst s4  }
0xd: {  	[smem:$0x3FB2] =	sst s5  }
0xe: {  	[smem:$0x3FB3] =	sst s6  }
0xf: {  	[smem:$0x3FB4] =	sst s7  }
0x10: {  	[smem:$0x3FB5] =	sst s8  }
0x11: {  	[smem:$0x3FB6] =	sst s9;
	s0 =	simm.s32 @!p0 $0x0  }
0x12: {  	s1 =	sld [smem:$0x3F9C];
	s0 =	simm.s32 @p0 $0x1  }
0x13: {  	[smem:$0x3FB7] =	sst s0;
	s0 =	simm.s32 @!p1 $0x0  }
0x14: {  	s2 =	sld [smem:$0x3F9B];
	s0 =	simm.s32 @p1 $0x1  }
0x15: {  	[smem:$0x3FB8] =	sst s0;
	s0 =	simm.s32 @!p2 $0x0  }
0x16: {  	s3 =	sld [smem:$0x3FDB];
	s0 =	simm.s32 @p2 $0x1  }
0x17: {  	s4 =	simm.s32 $0x1BF5;
	[smem:$0x3FBA] =	sst s0  }
0x18: {  	s0 =	sld [smem:$0x3F9D];
	_ =	swait.ge [sflag:s4], $0x0  }
0x19: {  	s7 =	sld [smem:$0x3F9E]  }
0x1a: {  	s8 =	sadd.s32 $0xFFFFE003, lr  }
0x1b: {  	s9 =	sadd.s32 $0xFFFFFEF7, lr;
	s5 =	simm.s32 $0xFFFFFFFF;
	p2 =	slt.u32 s8, $0xFFFFF086  }
0x1c: {  	p1 =	slt.u32 s9, $0xF7A;
	s5 =	simm.s32 @!p2 $0x0  }
0x1d: {  	s5 =	simm.s32 @p1 $0x1;
	p0 =	seq.s32 s7, s2  }
0x1e: {  	s7 =	smul.u32 @!p0 $0xF7A, s2;
	p2 =	seq.s32 @!p0 s5, $0x0  }
0x1f: {  	s9 =	smul.u32 $0xF7A, s1;
	s8 =	simm.s32 @!p0 $0x1BF5;
	p2 =	por !p2, p0  }
0x20: {  	[sflag:s8] =	ssyncset.s32 @!p0 $0xFFFFF086;
	s6 =	sadd.s32 @!p0 s3, s7;
	s7 =	simm.s32 @!p0 $0x108  }
0x21: {  	s3 =	sadd.s32 s3, s9;
	s6 =	sadd.s32 @!p0 $0x88, s6;
	s7 =	simm.s32 @p2 $0x1082  }
0x22: {  	[simem:s7], [sflag:s8] =	dma.local @!p0 [hbm:s6], $0xF7A  }
0x23: {  	s9 =	sor.u32 $0xD0000000, s2;
	s6 =	simm.s32 $0x108;
	_ =	swait.ge @!p0 [sflag:s8], $0x0  }
0x24: {  	s3 =	sadd.s32 $0x88, s3;
	s6 =	simm.s32 @!p1 $0x1082;
	[sflag:s4] =	ssyncset.s32 $0xFFFFF086  }
0x25: {  	[simem:s6], [sflag:s4] =	dma.local [hbm:s3], $0xF7A  }
0x26: {  	[smem:$0x3F9E] =	sst s1;
	(tag) =	ssettag s2;
	_ =	strace s9  }
0x27: {  	s1 =	sld [smem:$0x3FAE]  }
0x28: {  	s2 =	sld [smem:$0x3FAF]  }
0x29: {  	s4 =	sld [smem:$0x3FB1]  }
0x2a: {  	p0 =	seq.s32 s5, $0x0;
	s5 =	sld [smem:$0x3FB2]  }
0x2b: {  	s6 =	sld [smem:$0x3FB3]  }
0x2c: {  	s7 =	sld [smem:$0x3FB4]  }
0x2d: {  	s3 =	simm.s32 $0x108;
	s8 =	sld [smem:$0x3FB5]  }
0x2e: {  	s3 =	simm.s32 @!p0 $0x1082;
	s9 =	sld [smem:$0x3FB6]  }
0x2f: {  	lr =	sadd.s32 s0, s3;
	s0 =	sld [smem:$0x3FAD]  }
0x30: {  	s3 =	sld [smem:$0x3FB0]  }
0x31: {  	[smem:$0x3FB9] =	sst s10  }
0x32: {  	s10 =	sld [smem:$0x3FB7];
	_ =	sdelay $0x3  }
0x33: {  	p0 =	seq.s32 s10, $0x1;
	s10 =	sld [smem:$0x3FB9];
	_ =	sdelay $0x3  }
0x34: {  	[smem:$0x3FB9] =	sst s10  }
0x35: {  	s10 =	sld [smem:$0x3FB8];
	_ =	sdelay $0x3  }
0x36: {  	p1 =	seq.s32 s10, $0x1;
	s10 =	sld [smem:$0x3FB9];
	_ =	sdelay $0x3  }
0x37: {  	[smem:$0x3FB9] =	sst s10  }
0x38: {  	s10 =	sld [smem:$0x3FBA]  }
0x39: {  	_ = 	snop;
	(pc) =	sbr.ind lr, $3  }
0x3a: {  	_ = 	snop  }
0x3b: {  	_ = 	snop  }
0x3c: {  	p2 =	seq.s32 s10, $0x1;
	s10 =	sld [smem:$0x3FB9]  }
0x3d: {  	_ =	shalt  }
0x3e: {  	_ =	shalt  }
0x3f: {  	_ =	shalt  }
0x40: {  	_ =	shalt  }
0x41: {  	_ =	shalt  }
0x42: {  	_ =	shalt  }
0x43: {  	_ =	shalt  }
0x44: {  	_ =	shalt  }
0x45: {  	_ =	shalt  }
0x46: {  	_ =	shalt  }
0x47: {  	_ =	shalt  }
0x48: {  	_ =	shalt  }
0x49: {  	_ =	shalt  }
0x4a: {  	_ =	shalt  }
0x4b: {  	_ =	shalt  }
0x4c: {  	_ =	shalt  }
0x4d: {  	_ =	shalt  }
0x4e: {  	_ =	shalt  }
0x4f: {  	_ =	shalt  }
0x50: {  	_ =	shalt  }
0x51: {  	_ =	shalt  }
0x52: {  	_ =	shalt  }
0x53: {  	_ =	shalt  }
0x54: {  	_ =	shalt  }
0x55: {  	_ =	shalt  }
0x56: {  	_ =	shalt  }
0x57: {  	_ =	shalt  }
0x58: {  	_ =	shalt  }
0x59: {  	_ =	shalt  }
0x5a: {  	_ =	shalt  }
0x5b: {  	_ =	shalt  }
0x5c: {  	_ =	shalt  }
0x5d: {  	_ =	shalt  }
0x5e: {  	_ =	shalt  }
0x5f: {  	_ =	shalt  }
0x60: {  	_ =	shalt  }
0x61: {  	_ =	shalt  }
0x62: {  	_ =	shalt  }
0x63: {  	_ =	shalt  }
0x64: {  	_ =	shalt  }
0x65: {  	_ =	shalt  }
0x66: {  	_ =	shalt  }
0x67: {  	_ =	shalt  }
0x68: {  	_ =	shalt  }
0x69: {  	_ =	shalt  }
0x6a: {  	_ =	shalt  }
0x6b: {  	_ =	shalt  }
0x6c: {  	_ =	shalt  }
0x6d: {  	_ =	shalt  }
0x6e: {  	_ =	shalt  }
0x6f: {  	_ =	shalt  }
0x70: {  	_ =	shalt  }
0x71: {  	_ =	shalt  }
0x72: {  	_ =	shalt  }
0x73: {  	_ =	shalt  }
0x74: {  	_ =	shalt  }
0x75: {  	_ =	shalt  }
0x76: {  	_ =	shalt  }
0x77: {  	_ =	shalt  }
0x78: {  	_ =	shalt  }
0x79: {  	_ =	shalt  }
0x7a: {  	_ =	shalt  }
0x7b: {  	_ =	shalt  }
0x7c: {  	_ =	shalt  }
0x7d: {  	_ =	shalt  }
0x7e: {  	_ =	shalt  }
0x7f: {  	_ =	shalt  }
0x80: {  	_ =	shalt  }
0x81: {  	_ =	shalt  }
0x82: {  	_ =	shalt  }
0x83: {  	_ =	shalt  }
0x84: {  	_ =	shalt  }
0x85: {  	_ =	shalt  }
0x86: {  	_ =	shalt  }
0x87: {  	_ =	shalt  }
.Lfunc_end0:
.L_simem_size_0:
called_computation.1_lowered:
.L_overlay_start_0:
0x88: {  	s2 =	sld [smem:$0x3FD9]  }
0x89: {  	s3 =	sld [smem:$0x3FFE];
	_ =	sdelay $0x1  }
0x8a: {  	s1 =	srdreg.scid  }
0x8b: {  	s0 =	sand.u32 $0x1, s1  }
0x8c: {  	s14 =	sshll.u32 s0, $0xA;
	s2 =	sadd.s32 s3, s2  }
0x8d: {  	s2 =	sadd.s32 s2, s14  }
0x8e: {  	[smem:$0x3FC5] =	sst s2  }
0x8f: {  	_ = 	snop  }
0x90: {  	s2 =	sld [smem:$0x3FD0];
	_ =	sdelay $0x2  }
0x91: {  	s15 =	simm.s32 $0xA;
	s4 =	simm.s32 $0x10  }
0x92: {  	[smem:s4], [sflag:s15] =	dma.local [hbm:s2], $0x1  }
0x93: {  	_ =	swait.eq [sflag:s15], $0x1  }
0x94: {  	[sflag:s15] =	ssyncset.done $0x0  }
0x95: {  	s16 =	sld [smem:$0x10];
	[sflag:s15] =	ssyncadd.s32 $0xFFFFFFFF  }
0x96: {  	s17 =	sld [smem:$0x11];
	(tm) =	ssettm $0x1  }
0x97: {  	s18 =	sld [smem:$0x3FFB];
	_ =	sdelay $0x3  }
0x98: {  	_ =	strace s18  }
0x99: {  	s4 =	sld [smem:$0x3FFC];
	_ =	sdelay $0x3  }
0x9a: {  	_ =	strace s4  }
0x9b: {  	s4 =	sld [smem:$0x3FFD];
	_ =	sdelay $0x3  }
0x9c: {  	_ =	strace s4  }
0x9d: {  	_ =	strace $0x8FFFFFFF  }
0x9e: {  	s19 =	sld [smem:$0x3FDB];
	_ =	sdelay $0x1  }
0x9f: {  	s5 =	simm.s32 $_scs_section_size  }
0xa0: {  	s6 =	simm.s32 $_size__tile_overlayer_lowered;
	s7 =	simm.s32 $_tile_overlayer_lowered  }
0xa1: {  	s22 =	simm.s32 $0x1BFF;
	s21 =	sshll.u32 s7, $0x1;
	s4 =	sadd.s32 s5, s19  }
0xa2: {  	s8 =	simm.s32 $0x0;
	s20 =	sshll.u32 s6, $0x1;
	s6 =	sadd.s32 s21, s4  }
0xa3: {  	[timem:s8], [sflag:s22] =	dma.local [hbm:s6], s20  }
0xa4: {  	_ =	swait.ge [sflag:s22], s20  }
0xa5: {  	s5 =	ssub.s32 $0x0, s20;
	[sflag:s22] =	ssyncset.done $0x0  }
0xa6: {  	[sflag:s22] =	ssyncadd.s32 s5;
	_ =	sdelay $0x1  }
0xa7: {  	s23 =	simm.s32 $0x1B8B  }
0xa8: {  	_ =	swait.ge [sflag:s23], $0x1  }
0xa9: {  	[sflag:s23] =	ssyncset.done $0x0  }
0xaa: {  	s25 =	simm.s32 $0x1B8E;
	s24 =	sld [smem:$0x3FFE];
	[sflag:s23] =	ssyncadd.s32 $0xFFFFFFFF  }
0xab: {  	s26 =	simm.s32 $execute0_lowered;
	[smem:$0x3FD2] =	sst s25  }
0xac: {  	s6 =	sshll.u32 s26, $0x1;
	_ =	strace $0x80000046;
	[dreg:$0x1] =	wrdreg $0xFFFFFFFF  }
0xad: {  	s28 =	simm.s32 $_size_execute0_lowered;
	s4 =	sadd.s32 s4, s6;
	[dreg:$0x0] =	wrdreg $0x0  }
0xae: {  	s6 =	sshll.u32 s28, $0x1;
	[dreg:$0x2] =	wrdreg s4  }
0xaf: {  	[dreg:$0x3] =	wrdreg s6  }
0xb0: {  	[dreg:$0x4] =	wrdreg $0xC0  }
0xb1: {  	_ =	task [dreg:s8], $0x5FFFF  }
0xb2: {  	[dreg:$0x1] =	wrdreg $0xFFFFFFFF  }
0xb3: {  	[dreg:$0x0] =	wrdreg $0x60  }
0xb4: {  	[dreg:$0x2] =	wrdreg s24  }
0xb5: {  	[dreg:$0x3] =	wrdreg s16  }
0xb6: {  	[dreg:$0x4] =	wrdreg s17  }
0xb7: {  	[dreg:$0x5] =	wrdreg $0x9  }
0xb8: {  	_ =	task.clear_ibuf [dreg:s8], $0x6FFFF;
	_ =	strace $0x90000046  }
0xb9: {  	s29 =	simm.s32 $0x9;
	_ =	strace $0x80000048  }
0xba: {  	_ =	swait.ge [sflag:s29], $0x1  }
0xbb: {  	[sflag:s29] =	ssyncadd.s32 $0xFFFFFFFF  }
0xbc: {  	_ =	strace $0x90000048  }
0xbd: {  	_ =	sfence  }
0xbe: {  	s30 =	sld [smem:$0x0];
	_ =	sdelay $0x2  }
0xbf: {  	s31 =	sshll.u32 s1, $0xD;
	s1 =	sshrl.u32 s1, $0x2  }
0xc0: {  	s3 =	sand.u32 $0x4000, s31;
	s1 =	sadd.s32 s1, s30  }
0xc1: {  	s0 =	sor.u32 s3, s0;
	s1 =	sshll.u32 s1, $0x11  }
0xc2: {  	s0 =	sor.u32 s1, s0  }
0xc3: {  	s0 =	sadd.s32 $0x8F2B, s0  }
0xc4: {  	[sflag:s0] =	ssyncadd.remote.s32 $0x1  }
0xc5: {  	_ =	sfence.sel $0xFFFF  }
0xc6: {  	[dreg:$0x0] =	wrdreg $0xFFFFFFFF;
	(pc) =	sbr.abs _section_cstart, $3  }
0xc7: {  	[dreg:$0x1] =	wrdreg $0xFFFFFFFF  }
0xc8: {  	_ =	task.clear_ibuf [dreg:s8], $0x2FFFF;
	_ =	strace $0x9FFFFFFF  }
0xc9: {  	(tm) =	ssettm $0x7FFFFFFF  }
tec
execute0_lowered:
.L_overlay_start_1:
0x0: {  	(tag) =	ssettag $0x1  }
0x1: {  	s1 =	rddreg [dreg:$0x0]  }
0x2: {  	s10 =	rddreg [dreg:$0x1];
	s2 =	srdreg.scid  }
0x3: {  	s0 =	stileid.u32;
	s11 =	rddreg [dreg:$0x2]  }
0x4: {  	s15 =	simm.s32 $0xF00;
	s16 =	simm.s32 $0x19DA0;
	s17 =	simm.s32 $0x32  }
0x5: {  	s18 =	simm.s32 $0x1700;
	s19 =	simm.s32 $0x38;
	s20 =	simm.s32 $0xDA50  }
0x6: {  	s21 =	simm.s32 $0x1;
	s22 =	simm.s32 $0x1A188;
	s23 =	simm.s32 $0x2  }
0x7: {  	s24 =	simm.s32 $0x3;
	s25 =	simm.s32 $0x4;
	s8 =	sand.u32 $0x1, s2  }
0x8: {  	s3 =	sshll.u32 s0, $0x1;
	s2 =	simm.s32 $0x0;
	s14 =	smul.u32 $0x61A80, s0  }
0x9: {  	s6 =	sor.u32 s8, s3;
	[smem:$0x7FF] =	sst s2;
	s30 =	smul.u32 $0x30D40, s8  }
0xa: {  	s3 =	sadd.s32 $0xA00, s1;
	s26 =	ssub.s32 $0x2, s8;
	s4 =	smul.u32 $0xE0, s6  }
0xb: {  	_ =	strace $0x80000047;
	s5 =	sshll.u32 s6, $0x8;
	s12 =	smul.u32 $0x186A00, s6  }
0xc: {  	s28 =	sshrl.u32 s26, $0x1;
	s13 =	smul.u32 $0xC8, s6;
	s14 =	sadd.s32 s14, s10  }
0xd: {  	v0 =	vlaneseq.u32;
	s9 =	sadd.s32 s5, s1;
	s31 =	sadd.s32 s30, s14;
	s14 =	simm.s32 $0x700  }
0xe: {  	v1 =	vmul.u32 $0x3E8, v0;
	v3 =	vor.u32 $0x10, v0;
	v5 =	vor.u32 $0x20, v0;
	s7 =	sadd.s32 s4, s1;
	s4 =	sadd.s32 $0x25000, s1;
	s1 =	ssub.s32 s26, s28  }
0xf: {  	v7 =	vor.u32 $0x30, v0;
	v8 =	vadd.s32 $0x5DC, v0;
	v9 =	vadd.s32 $0x5EC, v0;
	s6 =	sadd.s32 $0x1F400, s9;
	s12 =	sshrl.u32 s12, $0x3;
	s26 =	simm.s32 $0x0  }
0x10: {  	v10 =	vadd.s32 $0x5FC, v0;
	v11 =	vadd.s32 $0x60C, v0;
	v12 =	vadd.s32 $0x60E, v0;
	s5 =	sadd.s32 $0x21400, s7;
	s7 =	sadd.s32 $0x23000, s9;
	s29 =	sadd.s32 s10, s12  }
0x11: {  	v13 =	vadd.s32 $0x61E, v0;
	v14 =	vadd.s32 $0x62E, v0;
	v15 =	vadd.s32 $0x63E, v0;
	s10 =	sadd.s32 s11, s13;
	s11 =	smax.u32 s1, $0x1;
	s12 =	sadd.s32 $0x186A, s31  }
0x12: {  	v2 =	vadd.s32 $0x3E80, v1;
	v4 =	vadd.s32 $0x7D00, v1;
	v6 =	vadd.s32 $0xBB80, v1;
	s13 =	simm.s32 $0x5;
	s8 =	sadd.s32 $0x2DC6C, s29;
	s9 =	sadd.s32 $0x2F4D6, s29  }
.LBB2_1:
0x13: {  	[tilespmem:s2], [sflag:$0x5] =	stream.linear.gather [hbm4b:s5+s2], $0x700, $0x38;
	[tilespmem:$0x1A808] =	vst v63  }
0x14: {  	_ =	swait.ge [sflag:s13], $0x700  }
0x15: {  	[sflag:s13] =	ssyncset.done $0x0  }
0x16: {  	[sflag:s13] =	ssyncadd.s32 $0xFFFFF900  }
0x17: {  	[tilespmem:s14], [sflag:$0x5] =	stream.linear.gather [hbm4b:s6+s2], $0x800, $0x38;
	[tilespmem:$0x1A808] =	vst v63  }
0x18: {  	_ =	swait.ge [sflag:s13], $0x800  }
0x19: {  	[sflag:s13] =	ssyncset.done $0x0  }
0x1a: {  	[sflag:s13] =	ssyncadd.s32 $0xFFFFF800  }
0x1b: {  	[tilespmem:s15], [sflag:$0x5] =	stream.linear.gather [hbm4b:s7+s2], $0x800, $0x38;
	[tilespmem:$0x1A808] =	vst v63  }
0x1c: {  	_ =	swait.ge [sflag:s13], $0x800  }
0x1d: {  	[sflag:s13] =	ssyncset.done $0x0  }
0x1e: {  	[sflag:s13] =	ssyncadd.s32 $0xFFFFF800  }
0x1f: {  	[tilespmem:s16], [sflag:$0x5] =	stream.linear.gather [hbm4b:s4+s2], $0x3E8, $0x38;
	[tilespmem:$0x1A808] =	vst v63  }
0x20: {  	_ =	swait.ge [sflag:s13], $0x3E8  }
0x21: {  	[sflag:s13] =	ssyncset.done $0x0  }
0x22: {  	s28 =	simm.s32 $0xA8;
	s29 =	simm.s32 $0x740;
	[sflag:s13] =	ssyncadd.s32 $0xFFFFFC18  }
0x23: {  	[tilespmem:s18], [sflag:$0x1] =	stream.indirect.gather [hbm4b:s3+s17], $0x3E8, s2, s17, $0xb8;
	[tilespmem:$0x1A808] =	vst v63  }
0x24: {  	s30 =	simm.s32 $0xF40;
	s31 =	smov.u32 s12;
	s1 =	simm.s32 $0x0  }
0x25: {  	[tilespmem:s20], [sflag:$0x2] =	stream.indirect.gather [hbm4b:s3+s17], $0x3E8, s19, s17, $0xb8;
	[tilespmem:$0x1A808] =	vst v63  }
.LBB2_2:
0x26: {  	_ =	swait.ge [sflag:s21], $0xC350  }
0x27: {  	[sflag:s21] =	ssyncset.done $0x0  }
0x28: {  	s0 =	sadd.s32 $0xFFFFE796, s31;
	[sflag:s21] =	ssyncadd.s32 $0xFFFF3CB0  }
0x29: {  	[hbm4b:s0+s2] =	stream.linear.scatter [tilespmem:s18], [sflag:$0x3], $0xC350, $0x38;
	[tilespmem:$0x1A808] =	vst v63  }
0x2a: {  	v16 =	vld [tilespmem:s30+$0xFFFFFFC0]  }
0x2b: {  	v17 =	vld [tilespmem:s29+$0xFFFFFFC0];
	_ =	sdelay $0x3  }
0x2c: {  	v16 =	vadd.s32 v1, v16;
	_ =	sdelay $0x3  }
0x2d: {  	v17 =	vld.idx.msk [tilespmem:v17+s16+$0x0], $0xffff  }
0x2e: {  	v16 =	vld.idx.msk [tilespmem:v16+s18+$0x0], $0xffff;
	_ =	sdelay $0x1  }
0x2f: {  	v18 =	vadd.s32 s1, v0;
	_ =	sdelay $0x2  }
0x30: {  	v16 =	vsub.f32 v17, v16;
	_ =	sdelay $0x1  }
0x31: {  	[tilespmem:v18+s22+$0x0] =	vst.idx.msk $0xffff, v16  }
0x32: {  	v16 =	vld [tilespmem:s30+$0xFFFFFFD0]  }
0x33: {  	v17 =	vld [tilespmem:s29+$0xFFFFFFD0];
	_ =	sdelay $0x3  }
0x34: {  	v16 =	vadd.s32 v2, v16;
	_ =	sdelay $0x3  }
0x35: {  	v17 =	vld.idx.msk [tilespmem:v17+s16+$0x0], $0xffff  }
0x36: {  	v16 =	vld.idx.msk [tilespmem:v16+s18+$0x0], $0xffff;
	_ =	sdelay $0x1  }
0x37: {  	v57 =	vadd.s32 s1, v3;
	_ =	sdelay $0x2  }
0x38: {  	v16 =	vsub.f32 v17, v16;
	_ =	sdelay $0x1  }
0x39: {  	[tilespmem:v57+s22+$0x0] =	vst.idx.msk $0xffff, v16  }
0x3a: {  	v16 =	vld [tilespmem:s30+$0xFFFFFFE0]  }
0x3b: {  	v17 =	vld [tilespmem:s29+$0xFFFFFFE0];
	_ =	sdelay $0x3  }
0x3c: {  	v16 =	vadd.s32 v4, v16;
	_ =	sdelay $0x3  }
0x3d: {  	v17 =	vld.idx.msk [tilespmem:v17+s16+$0x0], $0xffff  }
0x3e: {  	v16 =	vld.idx.msk [tilespmem:v16+s18+$0x0], $0xffff;
	_ =	sdelay $0x1  }
0x3f: {  	v58 =	vadd.s32 s1, v5;
	_ =	sdelay $0x2  }
0x40: {  	v16 =	vsub.f32 v17, v16;
	_ =	sdelay $0x1  }
0x41: {  	[tilespmem:v58+s22+$0x0] =	vst.idx.msk $0xffff, v16  }
0x42: {  	v16 =	vld [tilespmem:s30+$0xFFFFFFF0]  }
0x43: {  	v17 =	vld [tilespmem:s29+$0xFFFFFFF0];
	_ =	sdelay $0x3  }
0x44: {  	v16 =	vadd.s32 v6, v16;
	_ =	sdelay $0x3  }
0x45: {  	v17 =	vld.idx.msk [tilespmem:v17+s16+$0x0], $0xffff  }
0x46: {  	v16 =	vld.idx.msk [tilespmem:v16+s18+$0x0], $0xffff;
	_ =	sdelay $0x1  }
0x47: {  	v59 =	vadd.s32 s1, v7;
	_ =	sdelay $0x2  }
0x48: {  	v16 =	vsub.f32 v17, v16;
	_ =	sdelay $0x1  }
0x49: {  	[tilespmem:v59+s22+$0x0] =	vst.idx.msk $0xffff, v16  }
0x4a: {  	_ =	swait.ge [sflag:s23], $0xC350  }
0x4b: {  	[sflag:s23] =	ssyncset.done $0x0  }
0x4c: {  	[sflag:s23] =	ssyncadd.s32 $0xFFFF3CB0  }
0x4d: {  	[hbm4b:s31+s2] =	stream.linear.scatter [tilespmem:s20], [sflag:$0x4], $0xC350, $0x38;
	[tilespmem:$0x1A808] =	vst v63  }
0x4e: {  	v16 =	vld [tilespmem:s30+$0x0]  }
0x4f: {  	v17 =	vld [tilespmem:s29+$0x0];
	_ =	sdelay $0x3  }
0x50: {  	v16 =	vadd.s32 v1, v16;
	_ =	sdelay $0x3  }
0x51: {  	v17 =	vld.idx.msk [tilespmem:v17+s16+$0x0], $0xffff  }
0x52: {  	v16 =	vld.idx.msk [tilespmem:v16+s20+$0x0], $0xffff  }
0x53: {  	s0 =	sadd.s32 $0x32, s1  }
0x54: {  	v60 =	vadd.s32 s0, v0;
	_ =	sdelay $0x2  }
0x55: {  	v16 =	vsub.f32 v17, v16;
	_ =	sdelay $0x1  }
0x56: {  	[tilespmem:v60+s22+$0x0] =	vst.idx.msk $0xffff, v16  }
0x57: {  	v16 =	vld [tilespmem:s30+$0x10]  }
0x58: {  	v17 =	vld [tilespmem:s29+$0x10];
	_ =	sdelay $0x3  }
0x59: {  	v16 =	vadd.s32 v2, v16;
	_ =	sdelay $0x3  }
0x5a: {  	v17 =	vld.idx.msk [tilespmem:v17+s16+$0x0], $0xffff  }
0x5b: {  	v16 =	vld.idx.msk [tilespmem:v16+s20+$0x0], $0xffff;
	_ =	sdelay $0x1  }
0x5c: {  	v61 =	vadd.s32 s0, v3;
	_ =	sdelay $0x2  }
0x5d: {  	v16 =	vsub.f32 v17, v16;
	_ =	sdelay $0x1  }
0x5e: {  	[tilespmem:v61+s22+$0x0] =	vst.idx.msk $0xffff, v16  }
0x5f: {  	v16 =	vld [tilespmem:s30+$0x20]  }
0x60: {  	v17 =	vld [tilespmem:s29+$0x20];
	_ =	sdelay $0x3  }
0x61: {  	v16 =	vadd.s32 v4, v16;
	_ =	sdelay $0x3  }
0x62: {  	v17 =	vld.idx.msk [tilespmem:v17+s16+$0x0], $0xffff  }
0x63: {  	v16 =	vld.idx.msk [tilespmem:v16+s20+$0x0], $0xffff;
	_ =	sdelay $0x1  }
0x64: {  	v62 =	vadd.s32 s0, v5;
	_ =	sdelay $0x2  }
0x65: {  	v16 =	vsub.f32 v17, v16;
	_ =	sdelay $0x1  }
0x66: {  	[tilespmem:v62+s22+$0x0] =	vst.idx.msk $0xffff, v16  }
0x67: {  	v16 =	vld [tilespmem:s30+$0x30]  }
0x68: {  	v17 =	vld [tilespmem:s29+$0x30];
	_ =	sdelay $0x3  }
0x69: {  	v16 =	vadd.s32 v6, v16;
	_ =	sdelay $0x3  }
0x6a: {  	v17 =	vld.idx.msk [tilespmem:v17+s16+$0x0], $0xffff  }
0x6b: {  	v16 =	vld.idx.msk [tilespmem:v16+s20+$0x0], $0xffff;
	_ =	sdelay $0x1  }
0x6c: {  	v63 =	vadd.s32 s0, v7;
	_ =	sdelay $0x2  }
0x6d: {  	v16 =	vsub.f32 v17, v16;
	_ =	sdelay $0x1  }
0x6e: {  	[tilespmem:v63+s22+$0x0] =	vst.idx.msk $0xffff, v16  }
0x6f: {  	_ =	swait.ge [sflag:s24], $0xC350  }
0x70: {  	[sflag:s24] =	ssyncset.done $0x0  }
0x71: {  	p0 =	sne.s32 s1, $0x578;
	s0 =	sadd.s32 $0xFFFFFFC8, s28;
	[sflag:s24] =	ssyncadd.s32 $0xFFFF3CB0  }
0x72: {  	[tilespmem:s18], [sflag:$0x1] =	stream.indirect.gather [hbm4b:s3+s17], $0x3E8, s0, s17, $0xb8;
	[tilespmem:$0x1A808] =	vst v63  }
.Ltmp0:
0x73: {  	_ =	swait.ge [sflag:s25], $0xC350;
	(pc) =	sbr.rel @p0 .LBB2_2-.Ltmp0, $4  }
0x74: {  	[sflag:s25] =	ssyncset.done $0x0  }
0x75: {  	s1 =	sadd.s32 $0x64, s1;
	s31 =	sadd.s32 $0x30D4, s31;
	[sflag:s25] =	ssyncadd.s32 $0xFFFF3CB0  }
0x76: {  	[tilespmem:s20], [sflag:$0x2] =	stream.indirect.gather [hbm4b:s3+s17], $0x3E8, s28, s17, $0xb8;
	[tilespmem:$0x1A808] =	vst v63  }
0x77: {  	s29 =	sadd.s32 $0x80, s29;
	s30 =	sadd.s32 $0x80, s30;
	s28 =	sadd.s32 $0x70, s28  }
0x78: {  	_ =	swait.ge [sflag:s21], $0xC350  }
0x79: {  	[sflag:s21] =	ssyncset.done $0x0  }
0x7a: {  	[sflag:s21] =	ssyncadd.s32 $0xFFFF3CB0  }
0x7b: {  	[hbm4b:s8+s2] =	stream.linear.scatter [tilespmem:s18], [sflag:$0x3], $0xC350, $0x38;
	[tilespmem:$0x1A808] =	vst v63  }
0x7c: {  	v16 =	vld [tilespmem:$0x1680]  }
0x7d: {  	v17 =	vld [tilespmem:$0xE80];
	_ =	sdelay $0x3  }
0x7e: {  	v16 =	vadd.s32 v1, v16;
	_ =	sdelay $0x3  }
0x7f: {  	v17 =	vld.idx.msk [tilespmem:v17+s16+$0x0], $0xffff  }
0x80: {  	v16 =	vld.idx.msk [tilespmem:v16+s18+$0x0], $0xffff;
	_ =	sdelay $0x4  }
0x81: {  	v16 =	vsub.f32 v17, v16;
	_ =	sdelay $0x1  }
0x82: {  	[tilespmem:v8+s22+$0x0] =	vst.idx.msk $0xffff, v16  }
0x83: {  	v16 =	vld [tilespmem:$0x1690]  }
0x84: {  	v17 =	vld [tilespmem:$0xE90];
	_ =	sdelay $0x3  }
0x85: {  	v16 =	vadd.s32 v2, v16;
	_ =	sdelay $0x3  }
0x86: {  	v17 =	vld.idx.msk [tilespmem:v17+s16+$0x0], $0xffff  }
0x87: {  	v16 =	vld.idx.msk [tilespmem:v16+s18+$0x0], $0xffff;
	_ =	sdelay $0x4  }
0x88: {  	v16 =	vsub.f32 v17, v16;
	_ =	sdelay $0x1  }
0x89: {  	[tilespmem:v9+s22+$0x0] =	vst.idx.msk $0xffff, v16  }
0x8a: {  	v16 =	vld [tilespmem:$0x16A0]  }
0x8b: {  	v17 =	vld [tilespmem:$0xEA0];
	_ =	sdelay $0x3  }
0x8c: {  	v16 =	vadd.s32 v4, v16;
	_ =	sdelay $0x3  }
0x8d: {  	v17 =	vld.idx.msk [tilespmem:v17+s16+$0x0], $0xffff  }
0x8e: {  	v16 =	vld.idx.msk [tilespmem:v16+s18+$0x0], $0xffff;
	_ =	sdelay $0x4  }
0x8f: {  	v16 =	vsub.f32 v17, v16;
	_ =	sdelay $0x1  }
0x90: {  	[tilespmem:v10+s22+$0x0] =	vst.idx.msk $0xffff, v16  }
0x91: {  	v16 =	vld [tilespmem:$0x16B0]  }
0x92: {  	v17 =	vld [tilespmem:$0xEB0];
	_ =	sdelay $0x3  }
0x93: {  	v16 =	vadd.s32 v6, v16;
	_ =	sdelay $0x3  }
0x94: {  	v17 =	vld.idx.msk [tilespmem:v17+s16+$0x0], $0xffff  }
0x95: {  	v16 =	vld.idx.msk [tilespmem:v16+s18+$0x0], $0xffff;
	_ =	sdelay $0x4  }
0x96: {  	v16 =	vsub.f32 v17, v16;
	_ =	sdelay $0x1  }
0x97: {  	[tilespmem:v11+s22+$0x0] =	vst.idx.msk $0xffff, v16  }
0x98: {  	_ =	swait.ge [sflag:s23], $0xC350  }
0x99: {  	[sflag:s23] =	ssyncset.done $0x0  }
0x9a: {  	[sflag:s23] =	ssyncadd.s32 $0xFFFF3CB0  }
0x9b: {  	[hbm4b:s9+s2] =	stream.linear.scatter [tilespmem:s20], [sflag:$0x4], $0xC350, $0x38;
	[tilespmem:$0x1A808] =	vst v63  }
0x9c: {  	v16 =	vld [tilespmem:$0x16C0]  }
0x9d: {  	v17 =	vld [tilespmem:$0xEC0];
	_ =	sdelay $0x3  }
0x9e: {  	v16 =	vadd.s32 v1, v16;
	_ =	sdelay $0x3  }
0x9f: {  	v17 =	vld.idx.msk [tilespmem:v17+s16+$0x0], $0xffff  }
0xa0: {  	v16 =	vld.idx.msk [tilespmem:v16+s20+$0x0], $0xffff;
	_ =	sdelay $0x4  }
0xa1: {  	v16 =	vsub.f32 v17, v16;
	_ =	sdelay $0x1  }
0xa2: {  	[tilespmem:v12+s22+$0x0] =	vst.idx.msk $0xffff, v16  }
0xa3: {  	v16 =	vld [tilespmem:$0x16D0]  }
0xa4: {  	v17 =	vld [tilespmem:$0xED0];
	_ =	sdelay $0x3  }
0xa5: {  	v16 =	vadd.s32 v2, v16;
	_ =	sdelay $0x3  }
0xa6: {  	v17 =	vld.idx.msk [tilespmem:v17+s16+$0x0], $0xffff  }
0xa7: {  	v16 =	vld.idx.msk [tilespmem:v16+s20+$0x0], $0xffff;
	_ =	sdelay $0x4  }
0xa8: {  	v16 =	vsub.f32 v17, v16;
	_ =	sdelay $0x1  }
0xa9: {  	[tilespmem:v13+s22+$0x0] =	vst.idx.msk $0xffff, v16  }
0xaa: {  	v16 =	vld [tilespmem:$0x16E0]  }
0xab: {  	v17 =	vld [tilespmem:$0xEE0];
	_ =	sdelay $0x3  }
0xac: {  	v16 =	vadd.s32 v4, v16;
	_ =	sdelay $0x3  }
0xad: {  	v17 =	vld.idx.msk [tilespmem:v17+s16+$0x0], $0xffff  }
0xae: {  	v16 =	vld.idx.msk [tilespmem:v16+s20+$0x0], $0xffff;
	_ =	sdelay $0x4  }
0xaf: {  	v16 =	vsub.f32 v17, v16;
	_ =	sdelay $0x1  }
0xb0: {  	[tilespmem:v14+s22+$0x0] =	vst.idx.msk $0xffff, v16  }
0xb1: {  	v16 =	vld [tilespmem:$0x16F0]  }
0xb2: {  	v17 =	vld [tilespmem:$0xEF0];
	_ =	sdelay $0x3  }
0xb3: {  	v16 =	vadd.s32 v6, v16;
	_ =	sdelay $0x3  }
0xb4: {  	v17 =	vld.idx.msk [tilespmem:v17+s16+$0x0], $0xffff  }
0xb5: {  	v16 =	vld.idx.msk [tilespmem:v16+s20+$0x0], $0xffff;
	_ =	sdelay $0x4  }
0xb6: {  	v16 =	vsub.f32 v17, v16;
	_ =	sdelay $0x1  }
0xb7: {  	[tilespmem:v15+s22+$0x0] =	vst.idx.msk $0xffff, v16  }
0xb8: {  	_ =	swait.ge [sflag:s24], $0xC350  }
0xb9: {  	[sflag:s24] =	ssyncset.done $0x0  }
0xba: {  	[sflag:s24] =	ssyncadd.s32 $0xFFFF3CB0  }
0xbb: {  	s26 =	sadd.s32 $0x1, s26;
	_ =	swait.ge [sflag:s25], $0xC350  }
0xbc: {  	p0 =	sne.s32 s26, s11;
	[sflag:s25] =	ssyncset.done $0x0  }
.Ltmp1:
0xbd: {  	[sflag:s25] =	ssyncadd.s32 $0xFFFF3CB0;
	(pc) =	sbr.rel @p0 .LBB2_1-.Ltmp1, $4  }
0xbe: {  	[hbm4b:s10+s2] =	stream.linear.scatter [tilespmem:s22], [sflag:$0x5], $0x640, $0x38;
	[tilespmem:$0x1A808] =	vst v63  }
0xbf: {  	_ =	swait.ge [sflag:s13], $0x640  }
0xc0: {  	[sflag:s13] =	ssyncset.done $0x0  }
0xc1: {  	[sflag:s13] =	ssyncadd.s32 $0xFFFFF9C0  }
0xc2: {  	_ =	sfence.sel $0x180000  }
0xc3: {  	[bflag:$0x0] =	sbarrier.arrive $0xFFFF  }
0xc4: {  	_ =	strace $0x90000047  }
0xc5: {  	s0 =	stileid.u32;
	[bflag:$0x2] =	sbarrier.arrive $0xFFFF  }
0xc6: {  	p0 =	sne.s32 s0, $0x0;
	s0 =	rddreg [dreg:$0x3]  }
0xc7: {  	s0 =	sadd.s32 @!p0 $0x100000, s0  }
0xc8: {  	[sflag:s0] =	ssyncadd.tile.s32 @!p0 $0x1;
	_ =	shalt  }
.Lfunc_end2:
_tile_overlayer_lowered:
.L_overlay_start_2:
0xc9: {  	(tag) =	ssettag $0x2  }
0xca: {  	s0 =	rddreg [dreg:$0x0];
	s2 =	stileid.u32  }
0xcb: {  	s1 =	rddreg [dreg:$0x1];
	p0 =	sne.s32 s2, $0x0  }
0xcc: {  	s3 =	rddreg [dreg:$0x2];
	[bflag:$0x3] =	sbarrier.arrive $0xFFFF;
	s2 =	simm.s32 @!p0 $0x1C05  }
0xcd: {  	[timem:s3], [sflag:s2] =	dma.local @!p0 [hbm:s0], s1  }
0xce: {  	s0 =	simm.s32 @!p0 $0x5  }
0xcf: {  	_ =	swait.ge @!p0 [sflag:s0], s1  }
0xd0: {  	s1 =	ssub.s32 @!p0 $0x0, s1;
	[sflag:s0] =	ssyncset.done @!p0 $0x0  }
0xd1: {  	[sflag:s0] =	ssyncadd.s32 @!p0 s1  }
0xd2: {  	[bflag:$0x3] =	sbarrier.arrive $0xFFFF  }
0xd3: {  	_ =	shalt  }

// kernel: sparse-core-data-format-call.cloned.1.call-start
scs
called_computation_lowered:
.L_overlay_start_0:
0x0: {  	s2 =	sld [smem:$0x3FD9]  }
0x1: {  	s3 =	sld [smem:$0x3FFE];
	_ =	sdelay $0x1  }
0x2: {  	s1 =	srdreg.scid  }
0x3: {  	s0 =	sand.u32 $0x1, s1  }
0x4: {  	s15 =	sshll.u32 s0, $0xA;
	s2 =	sadd.s32 s3, s2  }
0x5: {  	s2 =	sadd.s32 s2, s15  }
0x6: {  	[smem:$0x3FC5] =	sst s2  }
0x7: {  	_ = 	snop  }
0x8: {  	s2 =	sld [smem:$0x3FD0];
	_ =	sdelay $0x2  }
0x9: {  	s16 =	simm.s32 $0xA;
	s4 =	simm.s32 $0x10  }
0xa: {  	[smem:s4], [sflag:s16] =	dma.local [hbm:s2], $0x1  }
0xb: {  	_ =	swait.eq [sflag:s16], $0x1  }
0xc: {  	[sflag:s16] =	ssyncset.done $0x0  }
0xd: {  	[sflag:s16] =	ssyncadd.s32 $0xFFFFFFFF  }
0xe: {  	s17 =	sld [smem:$0x10];
	(tm) =	ssettm $0x1  }
0xf: {  	s18 =	sld [smem:$0x3FFB];
	_ =	sdelay $0x3  }
0x10: {  	_ =	strace s18  }
0x11: {  	s3 =	sld [smem:$0x3FFC];
	_ =	sdelay $0x3  }
0x12: {  	_ =	strace s3  }
0x13: {  	s3 =	sld [smem:$0x3FFD];
	_ =	sdelay $0x3  }
0x14: {  	_ =	strace s3  }
0x15: {  	_ =	strace $0x8FFFFFFF  }
0x16: {  	s19 =	sld [smem:$0x3FDB];
	_ =	sdelay $0x1  }
0x17: {  	s20 =	simm.s32 $_scs_section_size  }
0x18: {  	s5 =	simm.s32 $_size__tile_overlayer_lowered;
	s6 =	simm.s32 $_tile_overlayer_lowered  }
0x19: {  	s23 =	simm.s32 $0x1BFF;
	s22 =	sshll.u32 s6, $0x1;
	s3 =	sadd.s32 s20, s19  }
0x1a: {  	s7 =	simm.s32 $0x0;
	s21 =	sshll.u32 s5, $0x1;
	s5 =	sadd.s32 s22, s3  }
0x1b: {  	[timem:s7], [sflag:s23] =	dma.local [hbm:s5], s21  }
0x1c: {  	_ =	swait.ge [sflag:s23], s21  }
0x1d: {  	s4 =	ssub.s32 $0x0, s21;
	[sflag:s23] =	ssyncset.done $0x0  }
0x1e: {  	[sflag:s23] =	ssyncadd.s32 s4;
	_ =	sdelay $0x1  }
0x1f: {  	s24 =	simm.s32 $0x1B8B  }
0x20: {  	_ =	swait.ge [sflag:s24], $0x1  }
0x21: {  	[sflag:s24] =	ssyncset.done $0x0  }
0x22: {  	s26 =	simm.s32 $0x1B8E;
	s25 =	sld [smem:$0x3FFE];
	[sflag:s24] =	ssyncadd.s32 $0xFFFFFFFF  }
0x23: {  	s27 =	simm.s32 $execute0_lowered;
	[smem:$0x3FD2] =	sst s26  }
0x24: {  	s5 =	sshll.u32 s27, $0x1;
	_ =	strace $0x80000049;
	[dreg:$0x1] =	wrdreg $0xFFFFFFFF  }
0x25: {  	s28 =	simm.s32 $_size_execute0_lowered;
	s3 =	sadd.s32 s3, s5;
	[dreg:$0x0] =	wrdreg $0x0  }
0x26: {  	s5 =	sshll.u32 s28, $0x1;
	[dreg:$0x2] =	wrdreg s3  }
0x27: {  	[dreg:$0x3] =	wrdreg s5  }
0x28: {  	[dreg:$0x4] =	wrdreg $0xC0  }
0x29: {  	_ =	task [dreg:s7], $0x5FFFF  }
0x2a: {  	[dreg:$0x1] =	wrdreg $0xFFFFFFFF  }
0x2b: {  	[dreg:$0x0] =	wrdreg $0x60  }
0x2c: {  	[dreg:$0x2] =	wrdreg s25  }
0x2d: {  	[dreg:$0x3] =	wrdreg s17  }
0x2e: {  	[dreg:$0x4] =	wrdreg $0x9  }
0x2f: {  	_ =	task.clear_ibuf [dreg:s7], $0x5FFFF;
	_ =	strace $0x90000049  }
0x30: {  	s29 =	simm.s32 $0x9;
	_ =	strace $0x8000004B  }
0x31: {  	_ =	swait.ge [sflag:s29], $0x1  }
0x32: {  	[sflag:s29] =	ssyncadd.s32 $0xFFFFFFFF  }
0x33: {  	_ =	strace $0x9000004B  }
0x34: {  	_ =	sfence  }
0x35: {  	s30 =	sld [smem:$0x0];
	_ =	sdelay $0x2  }
0x36: {  	s31 =	sshll.u32 s1, $0xD;
	s1 =	sshrl.u32 s1, $0x2  }
0x37: {  	s3 =	sand.u32 $0x4000, s31;
	s1 =	sadd.s32 s1, s30  }
0x38: {  	s0 =	sor.u32 s3, s0;
	s1 =	sshll.u32 s1, $0x11  }
0x39: {  	s0 =	sor.u32 s1, s0  }
0x3a: {  	s0 =	sadd.s32 $0x8F2B, s0  }
0x3b: {  	[sflag:s0] =	ssyncadd.remote.s32 $0x1  }
0x3c: {  	_ =	sfence.sel $0xFFFF  }
0x3d: {  	[dreg:$0x0] =	wrdreg $0xFFFFFFFF;
	(pc) =	sbr.abs _section_cstart, $3  }
0x3e: {  	[dreg:$0x1] =	wrdreg $0xFFFFFFFF  }
0x3f: {  	_ =	task.clear_ibuf [dreg:s7], $0x2FFFF;
	_ =	strace $0x9FFFFFFF  }
0x40: {  	(tm) =	ssettm $0x7FFFFFFF  }
0x41: {  	_ =	shalt  }
tec
execute0_lowered:
.L_overlay_start_1:
0x0: {  	(tag) =	ssettag $0x1  }
0x1: {  	s4 =	rddreg [dreg:$0x0]  }
0x2: {  	s0 =	stileid.u32;
	s2 =	rddreg [dreg:$0x1]  }
0x3: {  	s7 =	srdreg.scid;
	s31 =	simm.s32 $0x2;
	s17 =	simm.s32 $0x0  }
0x4: {  	s9 =	simm.s32 $0x2000;
	s19 =	simm.s32 $0x0;
	s18 =	simm.s32 $0x0  }
0x5: {  	s10 =	simm.s32 $0x0;
	s11 =	simm.s32 $0x0;
	s1 =	sshll.u32 s0, $0x7  }
0x6: {  	s12 =	simm.s32 $0x0;
	s14 =	simm.s32 $0x0;
	s3 =	sand.u32 $0x380, s1  }
0x7: {  	s16 =	simm.s32 $0x0;
	s4 =	sadd.s32 $0xA00, s4;
	s5 =	ssub.s32 $0x400, s3  }
0x8: {  	s8 =	sshll.u32 s0, $0x4;
	s7 =	sshll.u32 s7, $0x8;
	s6 =	sand.u32 $0x380, s5  }
0x9: {  	s1 =	rddreg [dreg:$0x2];
	p0 =	sne.s32 s6, $0x0;
	s6 =	simm.s32 $0x1  }
.Ltmp0:
0xa: {  	s5 =	sshrl.u32 s5, $0xA;
	s6 =	simm.s32 @!p0 $0x0;
	(pc) =	sbr.rel .LBB1_1-.Ltmp0, $4  }
0xb: {  	_ =	strace $0x8000004A;
	s7 =	sor.u32 s8, s7;
	s6 =	sadd.s32 s6, s5  }
0xc: {  	s7 =	sand.u32 $0x180, s7;
	s5 =	simm.s32 $0x1;
	s6 =	smul.u32 $0x64, s6  }
0xd: {  	s15 =	smov.u32 s3;
	s13 =	smov.u32 s7;
	[sflag:s5] =	ssyncpa.u1 $0x0  }
0xe: {  	p0 =	por $0x0, $0x0;
	[sflag:s31] =	ssyncpa.u1 $0x0;
	s8 =	sor.u32 $0x1, s6  }
.LBB1_4:
0xf: {  	s25 =	sshll.u32 s10, $0xA;
	s24 =	sshra.s32 s24, $0x2;
	s26 =	sshll.u32 s12, $0x3  }
0x10: {  	p1 =	sgt.s32 s11, $0x31;
	s27 =	smov.u32 s11;
	s28 =	sshra.s32 s11, $0x1F  }
0x11: {  	p2 =	sgt.s32 s12, $0x380;
	s31 =	sshra.s32 s12, $0x1F;
	s25 =	sand.u32 $0xFFFFE000, s25  }
0x12: {  	s26 =	sand.u32 $0xFFFFFC00, s26;
	s27 =	simm.s32 @!p1 $0x31;
	s28 =	sand.u32 s28, s11  }
0x13: {  	[tilespmem:s22+$0x2040 ss:$0x81] =	vst.msk $0xffff, v4;
	s23 =	sadd.s32 s24, s23;
	s29 =	sadd.s32 s26, s25;
	s25 =	ssub.s32 s27, s28  }
0x14: {  	[tilespmem:s22+$0x2850 ss:$0x81] =	vst.msk $0xffff, v3;
	s27 =	smov.u32 s12;
	s28 =	smov.u32 s10;
	s26 =	sand.u32 s31, s12  }
0x15: {  	[tilespmem:s22+$0x3060 ss:$0x81] =	vst.msk $0xffff, v2;
	s24 =	sshrl.u32 s29, $0xA;
	s30 =	sadd.s32 $0xFFFFFFCF, s25;
	s27 =	simm.s32 @!p2 $0x380  }
0x16: {  	v5 =	vld [tilespmem:s21+$0xFFFFFFD0];
	[tilespmem:s22+$0x0 ss:$0x81] =	vst.msk $0xffff, v1;
	p2 =	sgt.s32 s10, $0x368;
	s29 =	sshra.s32 s10, $0x1F;
	s22 =	ssub.s32 $0x32, s25  }
0x17: {  	v58 =	vld [tilespmem:s21+$0xFFFFFFE0];
	p1 =	sgt.s32 s30, $0x0;
	s28 =	simm.s32 @!p2 $0x368;
	s29 =	sand.u32 s29, s10  }
0x18: {  	v59 =	vld [tilespmem:s21+$0xFFFFFFF0];
	s26 =	ssub.s32 s27, s26;
	s27 =	smulhi.u32 $0x418938, s24;
	s28 =	ssub.s32 s28, s29  }
0x19: {  	v60 =	vld [tilespmem:s21+$0x0];
	s30 =	sadd.s32 $0xFFFFFC80, s26;
	s25 =	ssub.s32 $0x400, s26;
	s22 =	simm.s32 @p1 $0x0  }
0x1a: {  	v61 =	vld [tilespmem:s21+$0x10];
	[tilespmem:s23+$0x3870 ss:$0x81] =	vst.msk $0xffff, v0;
	s29 =	sand.u32 $0x78, s12;
	p2 =	sgt.s32 s30, $0x7F;
	s31 =	sadd.s32 $0xFFFFFC98, s28  }
0x1b: {  	v62 =	vld [tilespmem:s21+$0x20];
	[tilespmem:s23+$0x810 ss:$0x81] =	vst.msk $0xffff, v5;
	s27 =	smul.u32 $0x3E8, s27;
	s30 =	sshll.u32 s10, $0x7;
	s28 =	ssub.s32 $0x3E8, s28  }
0x1c: {  	v63 =	vld [tilespmem:s21+$0xFFFFFFC0];
	[tilespmem:s23+$0x1020 ss:$0x81] =	vst.msk $0xffff, v58;
	s25 =	simm.s32 @p2 $0x0;
	p1 =	sgt.s32 s31, $0x7F;
	s31 =	smul.u32 $0x1F400, s11  }
0x1d: {  	[tilespmem:s23+$0x1830 ss:$0x81] =	vst.msk $0xffff, v59;
	s21 =	sand.u32 $0x380, s30;
	s22 =	smul.u32 s25, s22;
	s28 =	simm.s32 @p1 $0x0  }
0x1e: {  	[tilespmem:s23+$0x2040 ss:$0x81] =	vst.msk $0xffff, v60;
	s21 =	sor.u32 s29, s21;
	s24 =	ssub.s32 s24, s27;
	s29 =	sand.u32 $0x7, s12  }
0x1f: {  	[tilespmem:s23+$0x2850 ss:$0x81] =	vst.msk $0xffff, v61;
	s21 =	sshrl.u32 s21, $0x3;
	s25 =	sadd.s32 s2, s31;
	s22 =	smul.u32 s28, s22  }
0x20: {  	[tilespmem:s23+$0x3060 ss:$0x81] =	vst.msk $0xffff, v62;
	s24 =	sshll.u32 s24, $0x7;
	s30 =	sshll.u32 s29, $0x12;
	s21 =	sadd.s32 s21, s25  }
0x21: {  	[tilespmem:s23+$0x0 ss:$0x81] =	vst.msk $0xffff, v63;
	s31 =	sor.u32 $0x400, s30;
	s21 =	sadd.s32 s24, s21;
	s22 =	sand.u32 $0x3FFFFFFF, s22  }
0x22: {  	[hbm4b:s21+s31] =	stream.strided.scatter [tilespmem:s20], [sflag:$0x2], s22, s9, s31, $0x20;
	[tilespmem:$0x10100] =	vst v63  }
.LBB1_5:
0x23: {  	p1 =	slt.u32 s16, $0x2  }
0x24: {  	p2 =	sgt.s32 @!p1 s19, $0x31  }
0x25: {  	s20 =	smov.u32 s19;
	s21 =	sshra.s32 @!p1 s19, $0x1F;
	p2 =	por !p2, p1  }
0x26: {  	s19 =	sand.u32 @!p1 s21, s19;
	s20 =	simm.s32 @p2 $0x31  }
0x27: {  	p3 =	sgt.s32 @!p1 s17, $0x368;
	s19 =	ssub.s32 @!p1 s20, s19  }
0x28: {  	p4 =	sgt.s32 @!p1 s18, $0x380;
	s22 =	sshra.s32 @!p1 s18, $0x1F;
	s20 =	sadd.s32 @!p1 $0xFFFFFFCF, s19  }
0x29: {  	s21 =	smov.u32 s17;
	p2 =	sgt.s32 @!p1 s20, $0x0;
	s20 =	sshra.s32 @!p1 s17, $0x1F  }
0x2a: {  	p4 =	por !p4, p1;
	s17 =	sand.u32 @!p1 s20, s17;
	s20 =	smov.u32 s18  }
0x2b: {  	p3 =	por !p3, p1;
	s18 =	sand.u32 @!p1 s22, s18;
	s20 =	simm.s32 @p4 $0x380  }
0x2c: {  	s21 =	simm.s32 @p3 $0x368;
	s19 =	ssub.s32 @!p1 $0x32, s19;
	s18 =	ssub.s32 @!p1 s20, s18  }
0x2d: {  	p2 =	por !p2, p1;
	s17 =	ssub.s32 @!p1 s21, s17;
	s21 =	sadd.s32 @!p1 $0xFFFFFC80, s18  }
0x2e: {  	s19 =	simm.s32 @!p2 $0x0;
	p3 =	sgt.s32 @!p1 s21, $0x7F  }
0x2f: {  	s20 =	sadd.s32 @!p1 $0xFFFFFC98, s17;
	s18 =	ssub.s32 @!p1 $0x400, s18;
	p3 =	por !p3, p1  }
0x30: {  	p2 =	sgt.s32 @!p1 s20, $0x7F;
	s20 =	sadd.s32 $0x200, s13;
	s18 =	simm.s32 @!p3 $0x0  }
0x31: {  	p3 =	sgt.s32 s20, $0x3E7;
	s18 =	smul.u32 @!p1 s18, s19;
	s19 =	simm.s32 $0x1  }
0x32: {  	s17 =	ssub.s32 @!p1 $0x3E8, s17;
	p2 =	por !p2, p1;
	s19 =	simm.s32 @!p3 $0x0  }
0x33: {  	s22 =	smov.u32 s15;
	s17 =	simm.s32 @!p2 $0x0;
	s21 =	sadd.s32 s19, s14  }
0x34: {  	s17 =	smul.u32 @!p1 s17, s18;
	s18 =	sadd.s32 $0x400, s15;
	p2 =	sgt.s32 s21, $0x31  }
0x35: {  	p0 =	por !p0, !p0;
	s23 =	simm.s32 @!p1 $0x2;
	s22 =	smov.u32 @p2 s18  }
0x36: {  	s20 =	smov.u32 @p3 s7;
	s21 =	simm.s32 @p2 $0x0;
	p2 =	sgt.s32 s22, $0x3FF  }
0x37: {  	s19 =	smov.u32 s11;
	s22 =	smov.u32 @p2 s3;
	p2 =	sne.s32 s16, s8  }
.Ltmp1:
0x38: {  	s11 =	smov.u32 s14;
	s17 =	sand.u32 @!p1 $0x3FFFFFFF, s17;
	(pc) =	sbr.rel @!p2 .LBB1_6-.Ltmp1, $4  }
0x39: {  	s18 =	smov.u32 s12;
	s12 =	smov.u32 s15;
	_ =	swait.ge @!p1 [sflag:s23], s17  }
0x3a: {  	s24 =	ssub.s32 @!p1 $0x0, s17;
	s17 =	smov.u32 s10;
	s10 =	smov.u32 s13  }
0x3b: {  	s13 =	smov.u32 s20;
	s14 =	smov.u32 s21;
	[sflag:s23] =	ssyncset.done @!p1 $0x0  }
0x3c: {  	s16 =	sadd.s32 $0x1, s16;
	[sflag:s23] =	ssyncadd.s32 @!p1 s24;
	s15 =	smov.u32 s22  }
.LBB1_1:
0x3d: {  	p1 =	sge.u32 s16, s6  }
0x3e: {  	s20 =	sshll.u32 @!p1 s14, $0xA  }
0x3f: {  	s21 =	sshll.u32 @!p1 s13, $0x3;
	s20 =	sand.u32 @!p1 $0xFFFFE000, s20  }
0x40: {  	s20 =	sadd.s32 @!p1 s20, s21  }
0x41: {  	s20 =	sshrl.u32 @!p1 s20, $0xA  }
0x42: {  	s21 =	smulhi.u32 @!p1 $0x4924925, s20  }
0x43: {  	s22 =	sshll.u32 @!p1 s14, $0x7;
	s24 =	smul.u32 @!p1 $0x1C00, s15  }
0x44: {  	s23 =	sand.u32 @!p1 $0x78, s13;
	s22 =	sand.u32 @!p1 $0x380, s22;
	s21 =	smul.u32 @!p1 $0x38, s21  }
0x45: {  	s31 =	sadd.s32 $0xFFFFFFFF, s16;
	s22 =	sor.u32 @!p1 s23, s22;
	s23 =	sadd.s32 @!p1 s4, s24  }
0x46: {  	s22 =	sshrl.u32 @!p1 s22, $0x3;
	s20 =	ssub.s32 @!p1 s20, s21;
	s21 =	sxor.u32 @!p1 $0xFFFFFFFF, s16  }
0x47: {  	s22 =	sadd.s32 @!p1 s22, s23;
	s23 =	sand.u32 @!p1 $0x7, s13;
	s21 =	sshll.u32 @!p1 s21, $0xE  }
0x48: {  	s23 =	sshll.u32 @!p1 s23, $0x12;
	s20 =	sshll.u32 @!p1 s20, $0x7;
	s21 =	sand.u32 @!p1 $0x4000, s21  }
0x49: {  	s20 =	sadd.s32 @!p1 s20, s22;
	s22 =	sor.u32 @!p1 $0x80, s23;
	s23 =	simm.s32 @!p1 $0xE000  }
0x4a: {  	[tilespmem:s21], [sflag:$0x1] =	stream.strided.gather @!p1 [hbm4b:s20+s22], $0x4000, s23, s22, $0x38;
	[tilespmem:$0x10100] =	vst v63  }
0x4b: {  	p1 =	sge.u32 s31, s6  }
.Ltmp2:
0x4c: {  	_ = 	snop;
	(pc) =	sbr.rel @p1 .LBB1_5-.Ltmp2, $1  }
0x4d: {  	_ =	sdelay $0x3  }
0x4e: {  	s20 =	simm.s32 $0x1  }
0x4f: {  	_ =	swait.ge [sflag:s5], $0x4000;
	s20 =	simm.s32 @!p0 $0x0  }
0x50: {  	[sflag:s5] =	ssyncset.done $0x0;
	s21 =	sshll.u32 s20, $0xE  }
0x51: {  	[sflag:s5] =	ssyncadd.s32 $0xFFFFC000;
	s21 =	sor.u32 $0x40, s21  }
0x52: {  	s20 =	smul.u32 $0x10200, s20;
	v0 =	vld [tilespmem:s21+$0x30]  }
0x53: {  	v1 =	vld [tilespmem:s21+$0xFFFFFFD0]  }
0x54: {  	s20 =	sshrl.u32 s20, $0x2;
	v5 =	vld [tilespmem:s21+$0xFFFFFFE0]  }
0x55: {  	v6 =	vld [tilespmem:s21+$0xFFFFFFF0];
	s23 =	sor.u32 $0x8000, s20  }
0x56: {  	s31 =	sand.u32 $0x1, s16;
	v4 =	vld [tilespmem:s21+$0x0];
	s22 =	sadd.s32 $0x0, s23  }
0x57: {  	v3 =	vld [tilespmem:s21+$0x10];
	s20 =	smul.u32 $0x10200, s31;
	[tilespmem:s22+$0x3870 ss:$0x81] =	vst.msk $0xffff, v0  }
0x58: {  	v2 =	vld [tilespmem:s21+$0x20];
	[tilespmem:s22+$0x810 ss:$0x81] =	vst.msk $0xffff, v1  }
0x59: {  	s20 =	sshrl.u32 s20, $0x2;
	v1 =	vld [tilespmem:s21+$0xFFFFFFC0];
	[tilespmem:s22+$0x1020 ss:$0x81] =	vst.msk $0xffff, v5;
	s21 =	sadd.s32 $0x80, s21  }
0x5a: {  	s24 =	simm.s32 $0x4;
	s25 =	simm.s32 $0x8;
	s20 =	sor.u32 $0x8000, s20;
	[tilespmem:s22+$0x1830 ss:$0x81] =	vst.msk $0xffff, v6;
	v0 =	vld [tilespmem:s21+$0x30]  }
.LBB1_3:
0x5b: {  	p1 =	sne.s32 s25, $0x1FC;
	v5 =	vld [tilespmem:s21+$0xFFFFFFD0];
	[tilespmem:s22+$0x2040 ss:$0x81] =	vst.msk $0xffff, v4  }
0x5c: {  	v6 =	vld [tilespmem:s21+$0xFFFFFFE0];
	[tilespmem:s22+$0x2850 ss:$0x81] =	vst.msk $0xffff, v3  }
0x5d: {  	s26 =	sshra.s32 s24, $0x2;
	s24 =	smov.u32 s25;
	v7 =	vld [tilespmem:s21+$0xFFFFFFF0];
	[tilespmem:s22+$0x3060 ss:$0x81] =	vst.msk $0xffff, v2  }
.Ltmp3:
0x5e: {  	v4 =	vld [tilespmem:s21+$0x0];
	[tilespmem:s22+$0x0 ss:$0x81] =	vst.msk $0xffff, v1;
	s22 =	sadd.s32 s26, s23;
	(pc) =	sbr.rel @p1 .LBB1_3-.Ltmp3, $4  }
0x5f: {  	v3 =	vld [tilespmem:s21+$0x10];
	[tilespmem:s22+$0x3870 ss:$0x81] =	vst.msk $0xffff, v0  }
0x60: {  	[tilespmem:s22+$0x810 ss:$0x81] =	vst.msk $0xffff, v5;
	v2 =	vld [tilespmem:s21+$0x20]  }
0x61: {  	v1 =	vld [tilespmem:s21+$0xFFFFFFC0];
	[tilespmem:s22+$0x1020 ss:$0x81] =	vst.msk $0xffff, v6;
	s21 =	sadd.s32 $0x80, s21  }
0x62: {  	s25 =	sadd.s32 $0x4, s25;
	v0 =	vld [tilespmem:s21+$0x30];
	[tilespmem:s22+$0x1830 ss:$0x81] =	vst.msk $0xffff, v7  }
.Ltmp4:
0x63: {  	_ = 	snop;
	(pc) =	sbr.rel .LBB1_4-.Ltmp4, $1  }
0x64: {  	_ =	sdelay $0x3  }
.LBB1_6:
0x65: {  	_ =	sfence.sel $0x180000  }
0x66: {  	s2 =	simm.s32 $0x1;
	[bflag:$0x0] =	sbarrier.arrive $0xFFFF  }
0x67: {  	s31 =	simm.s32 $0x2;
	[sflag:s2] =	ssyncpa.u1 $0x1  }
0x68: {  	[sflag:s31] =	ssyncpa.u1 $0x1  }
0x69: {  	p0 =	sne.s32 s0, $0x0;
	_ =	strace $0x9000004A  }
0x6a: {  	s0 =	sadd.s32 @!p0 $0x100000, s1;
	[bflag:$0x2] =	sbarrier.arrive $0xFFFF  }
0x6b: {  	[sflag:s0] =	ssyncadd.tile.s32 @!p0 $0x1;
	_ =	shalt  }
.Lfunc_end1:
_tile_overlayer_lowered:
.L_overlay_start_2:
0x6c: {  	(tag) =	ssettag $0x2  }
0x6d: {  	s0 =	rddreg [dreg:$0x0];
	s2 =	stileid.u32  }
0x6e: {  	s1 =	rddreg [dreg:$0x1];
	p0 =	sne.s32 s2, $0x0  }
0x6f: {  	s3 =	rddreg [dreg:$0x2];
	[bflag:$0x3] =	sbarrier.arrive $0xFFFF;
	s2 =	simm.s32 @!p0 $0x1C01  }
0x70: {  	[timem:s3], [sflag:s2] =	dma.local @!p0 [hbm:s0], s1  }
0x71: {  	s0 =	simm.s32 @!p0 $0x1  }
0x72: {  	_ =	swait.ge @!p0 [sflag:s0], s1  }
0x73: {  	s1 =	ssub.s32 @!p0 $0x0, s1;
	[sflag:s0] =	ssyncset.done @!p0 $0x0  }
0x74: {  	[sflag:s0] =	ssyncadd.s32 @!p0 s1  }
0x75: {  	[bflag:$0x3] =	sbarrier.arrive $0xFFFF  }
0x76: {  	_ =	shalt  }

</sc_bundles>
